<compile_context>
chip_gen: v7x
topology: tpu7x:2x2x1
jax: 0.10.2.dev20260603
libtpu: 0.0.44.dev20260713+nightly
codegen_flags: <defaults>
</compile_context>

<pallas_src>
import jax
import jax.numpy as jnp
from jax import lax
from jax.experimental import pallas as pl
from jax.experimental.pallas import tpu as pltpu
from jax.experimental.pallas import tpu_sc as plsc

B = 16
W = 8192
D = 1024
L = 16

_MESH = plsc.VectorSubcoreMesh(core_axis_name="c", subcore_axis_name="s",
                               num_cores=1)


def _select_body(pm_hbm, sw_hbm, out_hbm, row_v, idx_v, rows_v,
                 sem0, sem1, gsem):
    b = lax.axis_index("s")
    H = W // 2

    cp0 = pltpu.async_copy(sw_hbm.at[b, pl.ds(0, H)],
                           row_v.at[pl.ds(0, H)], sem0)
    cp1 = pltpu.async_copy(sw_hbm.at[b, pl.ds(H, H)],
                           row_v.at[pl.ds(H, H)], sem1)

    lane = lax.broadcasted_iota(jnp.int32, (L,), 0)

    U = 8

    def scan_half(start, vmaxs, vidxs):
        def body(j, carry):
            vmaxs, vidxs = carry
            base = start + j * (U * L)
            nmaxs, nidxs = [], []
            for k in range(U):
                x = row_v[pl.ds(base + k * L, L)]
                cand = base + k * L + lane
                pred = x > vmaxs[k]
                nmaxs.append(jnp.where(pred, x, vmaxs[k]))
                nidxs.append(jnp.where(pred, cand, vidxs[k]))
            return tuple(nmaxs), tuple(nidxs)

        return lax.fori_loop(0, H // (U * L), body, (vmaxs, vidxs))

    neg = jnp.full((L,), -jnp.inf, jnp.float32)
    init_maxs = tuple(neg for _ in range(U))
    init_idxs = tuple(jnp.zeros((L,), jnp.int32) for _ in range(U))

    cp0.wait()
    vmaxs, vidxs = scan_half(0, init_maxs, init_idxs)
    cp1.wait()
    vmaxs, vidxs = scan_half(H, vmaxs, vidxs)

    vmaxs, vidxs = list(vmaxs), list(vidxs)
    n = U
    while n > 1:
        for k in range(n // 2):
            am, ai = vmaxs[k], vidxs[k]
            bm, bi = vmaxs[k + n // 2], vidxs[k + n // 2]
            pred = (bm > am) | ((bm == am) & (bi < ai))
            vmaxs[k] = jnp.where(pred, bm, am)
            vidxs[k] = jnp.where(pred, bi, ai)
        n //= 2
    vmax, vidx = vmaxs[0], vidxs[0]

    for s in (8, 4, 2, 1):
        perm = lane ^ s
        omax = jnp.take_along_axis(vmax, perm, axis=0)
        oidx = jnp.take_along_axis(vidx, perm, axis=0)
        pred = (omax > vmax) | ((omax == vmax) & (oidx < vidx))
        vmax = jnp.where(pred, omax, vmax)
        vidx = jnp.where(pred, oidx, vidx)

    idx_v[...] = vidx + b * W

    pltpu.async_copy(pm_hbm.at[idx_v.at[pl.ds(0, 1)]], rows_v, gsem).wait()
    pltpu.sync_copy(rows_v, out_hbm.at[pl.ds(b, 1)])


def kernel(previous_encoded_m, sim_weights):
    pm_flat = previous_encoded_m.reshape(B * W, D)

    run = pl.kernel(
        _select_body,
        mesh=_MESH,
        out_type=jax.ShapeDtypeStruct((B, D), jnp.float32),
        scratch_types=[
            pltpu.VMEM((W,), jnp.float32),
            pltpu.VMEM((L,), jnp.int32),
            pltpu.VMEM((1, D), jnp.float32),
            pltpu.SemaphoreType.DMA,
            pltpu.SemaphoreType.DMA,
            pltpu.SemaphoreType.DMA,
        ],
    )
    return run(pm_flat, sim_weights)

# --- scband reference (transcript-rebuilt; emitter-appended) ---
"""Pipeline reference for scband-select-c-37108517438106 (READ-ONLY COPY).

The authoritative reference and input builder live on the scoring server;
editing this copy changes nothing except your own understanding.
"""

import jax, jax.numpy as jnp
import numpy as np

def setup_inputs(seed: int = 0) -> dict:
    key = jax.random.key(seed)
    k1, k2 = jax.random.split(key)
    previous_encoded_m = jax.random.normal(k1, (16, 8192, 1024), dtype=jnp.float32)
    sim_weights = jax.random.uniform(k2, (16, 8192), dtype=jnp.float32)
    return {"previous_encoded_m": previous_encoded_m, "sim_weights": sim_weights}

def reference(previous_encoded_m, sim_weights):
    # soft=False path of SelectC.forward
    sim_weights_c = jax.lax.stop_gradient(sim_weights)
    value = jnp.max(sim_weights_c, axis=1)                # (B,)
    max_indices = jnp.argmax(sim_weights_c, axis=1)       # (B,)
    # mask = zeros scatter_ 1 at max index -> one-hot
    mask = jax.nn.one_hot(max_indices, sim_weights_c.shape[1], dtype=sim_weights_c.dtype)  # (B, W)
    # mask_diff: positions where mask==1 get (1 - value)
    mask_diff = mask * (1.0 - value)[:, None]
    sw = sim_weights * mask + mask_diff
    selected_memory = jnp.sum(sw[:, :, None] * previous_encoded_m, axis=1)  # (B, D)
    return selected_memory

if __name__ == "__main__":
    import jax
    _d = setup_inputs()
    print(jax.jit(kernel)(*tuple(_d.values())))

</pallas_src>

<mosaic_0001>
#map = affine_map<(d0, d1) -> (0, 0)>
module attributes {stable_mosaic.version = 14 : i64} {
  func.func @_select_body(%arg0: i32, %arg1: i32, %arg2: memref<131072x1024xf32, #tpu.memory_space<hbm>>, %arg3: memref<16x8192xf32, #tpu.memory_space<hbm>>, %arg4: memref<16x1024xf32, #tpu.memory_space<hbm>>, %arg5: memref<8192xf32, #tpu.memory_space<vmem>>, %arg6: memref<16xi32, #tpu.memory_space<vmem>>, %arg7: memref<1x1024xf32, #tpu.memory_space<vmem>>, %arg8: memref<!tpu.dma_semaphore, #tpu.memory_space<semaphore_mem>>, %arg9: memref<!tpu.dma_semaphore, #tpu.memory_space<semaphore_mem>>, %arg10: memref<!tpu.dma_semaphore, #tpu.memory_space<semaphore_mem>>) attributes {dimension_semantics = [#tpu.dimension_semantics<core_parallel>, #tpu.dimension_semantics<subcore_parallel>], iteration_bounds = array<i64: 1, 16>, scalar_prefetch = 0 : i64, scratch_operands = 6 : i64, tpu.core_type = #tpu.core_type<sc_vector_subcore>, window_params = [{transform_indices = #map}, {transform_indices = #map}, {transform_indices = #map}]} {
    %dma_start3A = arith.constant 0 : i32
    %dma_start3A_0 = tpu.memref_slice %arg5[%dma_start3A] : memref<8192xf32, #tpu.memory_space<vmem>> -> memref<4096xf32, #tpu.memory_space<vmem>>
    %dma_start3A_1 = arith.constant 0 : i32
    %dma_start3A_2 = tpu.memref_slice %arg3[%arg1, %dma_start3A_1] : memref<16x8192xf32, #tpu.memory_space<hbm>> -> memref<1x4096xf32, #tpu.memory_space<hbm>>
    %dma_start3A_3 = tpu.memref_squeeze %dma_start3A_2 : memref<1x4096xf32, #tpu.memory_space<hbm>> -> memref<4096xf32, #tpu.memory_space<hbm>>
    %dma_start3A_4 = arith.constant 0 : i32
    %dma_start3A_5 = tpu.memref_slice %arg5[%dma_start3A_4] : memref<8192xf32, #tpu.memory_space<vmem>> -> memref<4096xf32, #tpu.memory_space<vmem>>
    %dma_start3A_6 = arith.constant 0 : i32
    %dma_start3A_7 = tpu.memref_slice %arg3[%arg1, %dma_start3A_6] : memref<16x8192xf32, #tpu.memory_space<hbm>> -> memref<1x4096xf32, #tpu.memory_space<hbm>>
    %dma_start3A_8 = tpu.memref_squeeze %dma_start3A_7 : memref<1x4096xf32, #tpu.memory_space<hbm>> -> memref<4096xf32, #tpu.memory_space<hbm>>
    tpu.enqueue_dma source(%dma_start3A_8 : memref<4096xf32, #tpu.memory_space<hbm>>) target(%dma_start3A_5 : memref<4096xf32, #tpu.memory_space<vmem>>) target_semaphore(%arg8 : memref<!tpu.dma_semaphore, #tpu.memory_space<semaphore_mem>>)
    %dma_start3A_9 = arith.constant 4096 : i32
    %dma_start3A_10 = tpu.memref_slice %arg5[%dma_start3A_9] : memref<8192xf32, #tpu.memory_space<vmem>> -> memref<4096xf32, #tpu.memory_space<vmem>>
    %dma_start3A_11 = arith.constant 4096 : i32
    %dma_start3A_12 = tpu.memref_slice %arg3[%arg1, %dma_start3A_11] : memref<16x8192xf32, #tpu.memory_space<hbm>> -> memref<1x4096xf32, #tpu.memory_space<hbm>>
    %dma_start3A_13 = tpu.memref_squeeze %dma_start3A_12 : memref<1x4096xf32, #tpu.memory_space<hbm>> -> memref<4096xf32, #tpu.memory_space<hbm>>
    %dma_start3A_14 = arith.constant 4096 : i32
    %dma_start3A_15 = tpu.memref_slice %arg5[%dma_start3A_14] : memref<8192xf32, #tpu.memory_space<vmem>> -> memref<4096xf32, #tpu.memory_space<vmem>>
    %dma_start3A_16 = arith.constant 4096 : i32
    %dma_start3A_17 = tpu.memref_slice %arg3[%arg1, %dma_start3A_16] : memref<16x8192xf32, #tpu.memory_space<hbm>> -> memref<1x4096xf32, #tpu.memory_space<hbm>>
    %dma_start3A_18 = tpu.memref_squeeze %dma_start3A_17 : memref<1x4096xf32, #tpu.memory_space<hbm>> -> memref<4096xf32, #tpu.memory_space<hbm>>
    tpu.enqueue_dma source(%dma_start3A_18 : memref<4096xf32, #tpu.memory_space<hbm>>) target(%dma_start3A_15 : memref<4096xf32, #tpu.memory_space<vmem>>) target_semaphore(%arg9 : memref<!tpu.dma_semaphore, #tpu.memory_space<semaphore_mem>>)
    %iota3A = tpu.iota {dimensions = array<i32: 0>} : vector<16xi32>
    %broadcast_in_dim3A = arith.constant 0xFF800000 : f32
    %broadcast_in_dim3A_19 = vector.broadcast %broadcast_in_dim3A : f32 to vector<16xf32>
    %broadcast_in_dim3A_20 = arith.constant 0 : i32
    %broadcast_in_dim3A_21 = vector.broadcast %broadcast_in_dim3A_20 : i32 to vector<16xi32>
    %broadcast_in_dim3A_22 = arith.constant 0 : i32
    %broadcast_in_dim3A_23 = vector.broadcast %broadcast_in_dim3A_22 : i32 to vector<16xi32>
    %broadcast_in_dim3A_24 = arith.constant 0 : i32
    %broadcast_in_dim3A_25 = vector.broadcast %broadcast_in_dim3A_24 : i32 to vector<16xi32>
    %broadcast_in_dim3A_26 = arith.constant 0 : i32
    %broadcast_in_dim3A_27 = vector.broadcast %broadcast_in_dim3A_26 : i32 to vector<16xi32>
    %broadcast_in_dim3A_28 = arith.constant 0 : i32
    %broadcast_in_dim3A_29 = vector.broadcast %broadcast_in_dim3A_28 : i32 to vector<16xi32>
    %broadcast_in_dim3A_30 = arith.constant 0 : i32
    %broadcast_in_dim3A_31 = vector.broadcast %broadcast_in_dim3A_30 : i32 to vector<16xi32>
    %broadcast_in_dim3A_32 = arith.constant 0 : i32
    %broadcast_in_dim3A_33 = vector.broadcast %broadcast_in_dim3A_32 : i32 to vector<16xi32>
    %broadcast_in_dim3A_34 = arith.constant 0 : i32
    %broadcast_in_dim3A_35 = vector.broadcast %broadcast_in_dim3A_34 : i32 to vector<16xi32>
    %dma_wait3A = arith.constant 0 : i32
    %dma_wait3A_36 = tpu.memref_slice %arg5[%dma_wait3A] : memref<8192xf32, #tpu.memory_space<vmem>> -> memref<4096xf32, #tpu.memory_space<vmem>>
    %dma_wait3A_37 = arith.constant 0 : i32
    %dma_wait3A_38 = tpu.memref_slice %arg3[%arg1, %dma_wait3A_37] : memref<16x8192xf32, #tpu.memory_space<hbm>> -> memref<1x4096xf32, #tpu.memory_space<hbm>>
    %dma_wait3A_39 = tpu.memref_squeeze %dma_wait3A_38 : memref<1x4096xf32, #tpu.memory_space<hbm>> -> memref<4096xf32, #tpu.memory_space<hbm>>
    %dma_wait3A_40 = arith.constant 0 : i32
    %dma_wait3A_41 = tpu.memref_slice %arg5[%dma_wait3A_40] : memref<8192xf32, #tpu.memory_space<vmem>> -> memref<4096xf32, #tpu.memory_space<vmem>>
    %dma_wait3A_42 = arith.constant 0 : i32
    %dma_wait3A_43 = tpu.memref_slice %arg3[%arg1, %dma_wait3A_42] : memref<16x8192xf32, #tpu.memory_space<hbm>> -> memref<1x4096xf32, #tpu.memory_space<hbm>>
    %dma_wait3A_44 = tpu.memref_squeeze %dma_wait3A_43 : memref<1x4096xf32, #tpu.memory_space<hbm>> -> memref<4096xf32, #tpu.memory_space<hbm>>
    tpu.wait_dma2 semaphore(%arg8 : memref<!tpu.dma_semaphore, #tpu.memory_space<semaphore_mem>>) src(%dma_wait3A_44 : memref<4096xf32, #tpu.memory_space<hbm>>) dst(%dma_wait3A_41 : memref<4096xf32, #tpu.memory_space<vmem>>)
    %scan3A = arith.constant 0 : i32
    %scan3A_45 = arith.constant 32 : i32
    %scan3A_46 = arith.addi %scan3A, %scan3A_45 : i32
    %scan3A_47 = arith.constant 1 : i32
    %scan3A_48:16 = scf.for %scan3A_241 = %scan3A to %scan3A_46 step %scan3A_47 iter_args(%scan3A_242 = %broadcast_in_dim3A_19, %scan3A_243 = %broadcast_in_dim3A_19, %scan3A_244 = %broadcast_in_dim3A_19, %scan3A_245 = %broadcast_in_dim3A_19, %scan3A_246 = %broadcast_in_dim3A_19, %scan3A_247 = %broadcast_in_dim3A_19, %scan3A_248 = %broadcast_in_dim3A_19, %scan3A_249 = %broadcast_in_dim3A_19, %scan3A_250 = %broadcast_in_dim3A_21, %scan3A_251 = %broadcast_in_dim3A_23, %scan3A_252 = %broadcast_in_dim3A_25, %scan3A_253 = %broadcast_in_dim3A_27, %scan3A_254 = %broadcast_in_dim3A_29, %scan3A_255 = %broadcast_in_dim3A_31, %scan3A_256 = %broadcast_in_dim3A_33, %scan3A_257 = %broadcast_in_dim3A_35) -> (vector<16xf32>, vector<16xf32>, vector<16xf32>, vector<16xf32>, vector<16xf32>, vector<16xf32>, vector<16xf32>, vector<16xf32>, vector<16xi32>, vector<16xi32>, vector<16xi32>, vector<16xi32>, vector<16xi32>, vector<16xi32>, vector<16xi32>, vector<16xi32>)  : i32 {
      %mul3A_258 = arith.constant 128 : i32
      %mul3A_259 = arith.muli %scan3A_241, %mul3A_258 : i32
      %add3A_260 = arith.constant 0 : i32
      %add3A_261 = arith.addi %add3A_260, %mul3A_259 : i32
      %add3A_262 = arith.constant 0 : i32
      %add3A_263 = arith.addi %add3A_261, %add3A_262 : i32
      %get3A = arith.index_cast %add3A_263 : i32 to index
      %get3A_264 = tpu.vector_load %arg5[%get3A] {strides = array<i32>} : memref<8192xf32, #tpu.memory_space<vmem>>, vector<16xf32>,
      %get3A_265 = vector.shape_cast %get3A_264 : vector<16xf32> to vector<16xf32>
      %add3A_266 = arith.constant 0 : i32
      %add3A_267 = arith.addi %add3A_261, %add3A_266 : i32
      %add3A_268 = vector.broadcast %add3A_267 : i32 to vector<16xi32>
      %add3A_269 = arith.addi %add3A_268, %iota3A : vector<16xi32>
      %gt3A_270 = arith.cmpf ogt, %get3A_265, %scan3A_242 : vector<16xf32>
      %select_n3A_271 = arith.select %gt3A_270, %get3A_265, %scan3A_242 : vector<16xi1>, vector<16xf32>
      %select_n3A_272 = arith.select %gt3A_270, %add3A_269, %scan3A_250 : vector<16xi1>, vector<16xi32>
      %add3A_273 = arith.constant 16 : i32
      %add3A_274 = arith.addi %add3A_261, %add3A_273 : i32
      %get3A_275 = arith.index_cast %add3A_274 : i32 to index
      %get3A_276 = tpu.vector_load %arg5[%get3A_275] {strides = array<i32>} : memref<8192xf32, #tpu.memory_space<vmem>>, vector<16xf32>,
      %get3A_277 = vector.shape_cast %get3A_276 : vector<16xf32> to vector<16xf32>
      %add3A_278 = arith.constant 16 : i32
      %add3A_279 = arith.addi %add3A_261, %add3A_278 : i32
      %add3A_280 = vector.broadcast %add3A_279 : i32 to vector<16xi32>
      %add3A_281 = arith.addi %add3A_280, %iota3A : vector<16xi32>
      %gt3A_282 = arith.cmpf ogt, %get3A_277, %scan3A_243 : vector<16xf32>
      %select_n3A_283 = arith.select %gt3A_282, %get3A_277, %scan3A_243 : vector<16xi1>, vector<16xf32>
      %select_n3A_284 = arith.select %gt3A_282, %add3A_281, %scan3A_251 : vector<16xi1>, vector<16xi32>
      %add3A_285 = arith.constant 32 : i32
      %add3A_286 = arith.addi %add3A_261, %add3A_285 : i32
      %get3A_287 = arith.index_cast %add3A_286 : i32 to index
      %get3A_288 = tpu.vector_load %arg5[%get3A_287] {strides = array<i32>} : memref<8192xf32, #tpu.memory_space<vmem>>, vector<16xf32>,
      %get3A_289 = vector.shape_cast %get3A_288 : vector<16xf32> to vector<16xf32>
      %add3A_290 = arith.constant 32 : i32
      %add3A_291 = arith.addi %add3A_261, %add3A_290 : i32
      %add3A_292 = vector.broadcast %add3A_291 : i32 to vector<16xi32>
      %add3A_293 = arith.addi %add3A_292, %iota3A : vector<16xi32>
      %gt3A_294 = arith.cmpf ogt, %get3A_289, %scan3A_244 : vector<16xf32>
      %select_n3A_295 = arith.select %gt3A_294, %get3A_289, %scan3A_244 : vector<16xi1>, vector<16xf32>
      %select_n3A_296 = arith.select %gt3A_294, %add3A_293, %scan3A_252 : vector<16xi1>, vector<16xi32>
      %add3A_297 = arith.constant 48 : i32
      %add3A_298 = arith.addi %add3A_261, %add3A_297 : i32
      %get3A_299 = arith.index_cast %add3A_298 : i32 to index
      %get3A_300 = tpu.vector_load %arg5[%get3A_299] {strides = array<i32>} : memref<8192xf32, #tpu.memory_space<vmem>>, vector<16xf32>,
      %get3A_301 = vector.shape_cast %get3A_300 : vector<16xf32> to vector<16xf32>
      %add3A_302 = arith.constant 48 : i32
      %add3A_303 = arith.addi %add3A_261, %add3A_302 : i32
      %add3A_304 = vector.broadcast %add3A_303 : i32 to vector<16xi32>
      %add3A_305 = arith.addi %add3A_304, %iota3A : vector<16xi32>
      %gt3A_306 = arith.cmpf ogt, %get3A_301, %scan3A_245 : vector<16xf32>
      %select_n3A_307 = arith.select %gt3A_306, %get3A_301, %scan3A_245 : vector<16xi1>, vector<16xf32>
      %select_n3A_308 = arith.select %gt3A_306, %add3A_305, %scan3A_253 : vector<16xi1>, vector<16xi32>
      %add3A_309 = arith.constant 64 : i32
      %add3A_310 = arith.addi %add3A_261, %add3A_309 : i32
      %get3A_311 = arith.index_cast %add3A_310 : i32 to index
      %get3A_312 = tpu.vector_load %arg5[%get3A_311] {strides = array<i32>} : memref<8192xf32, #tpu.memory_space<vmem>>, vector<16xf32>,
      %get3A_313 = vector.shape_cast %get3A_312 : vector<16xf32> to vector<16xf32>
      %add3A_314 = arith.constant 64 : i32
      %add3A_315 = arith.addi %add3A_261, %add3A_314 : i32
      %add3A_316 = vector.broadcast %add3A_315 : i32 to vector<16xi32>
      %add3A_317 = arith.addi %add3A_316, %iota3A : vector<16xi32>
      %gt3A_318 = arith.cmpf ogt, %get3A_313, %scan3A_246 : vector<16xf32>
      %select_n3A_319 = arith.select %gt3A_318, %get3A_313, %scan3A_246 : vector<16xi1>, vector<16xf32>
      %select_n3A_320 = arith.select %gt3A_318, %add3A_317, %scan3A_254 : vector<16xi1>, vector<16xi32>
      %add3A_321 = arith.constant 80 : i32
      %add3A_322 = arith.addi %add3A_261, %add3A_321 : i32
      %get3A_323 = arith.index_cast %add3A_322 : i32 to index
      %get3A_324 = tpu.vector_load %arg5[%get3A_323] {strides = array<i32>} : memref<8192xf32, #tpu.memory_space<vmem>>, vector<16xf32>,
      %get3A_325 = vector.shape_cast %get3A_324 : vector<16xf32> to vector<16xf32>
      %add3A_326 = arith.constant 80 : i32
      %add3A_327 = arith.addi %add3A_261, %add3A_326 : i32
      %add3A_328 = vector.broadcast %add3A_327 : i32 to vector<16xi32>
      %add3A_329 = arith.addi %add3A_328, %iota3A : vector<16xi32>
      %gt3A_330 = arith.cmpf ogt, %get3A_325, %scan3A_247 : vector<16xf32>
      %select_n3A_331 = arith.select %gt3A_330, %get3A_325, %scan3A_247 : vector<16xi1>, vector<16xf32>
      %select_n3A_332 = arith.select %gt3A_330, %add3A_329, %scan3A_255 : vector<16xi1>, vector<16xi32>
      %add3A_333 = arith.constant 96 : i32
      %add3A_334 = arith.addi %add3A_261, %add3A_333 : i32
      %get3A_335 = arith.index_cast %add3A_334 : i32 to index
      %get3A_336 = tpu.vector_load %arg5[%get3A_335] {strides = array<i32>} : memref<8192xf32, #tpu.memory_space<vmem>>, vector<16xf32>,
      %get3A_337 = vector.shape_cast %get3A_336 : vector<16xf32> to vector<16xf32>
      %add3A_338 = arith.constant 96 : i32
      %add3A_339 = arith.addi %add3A_261, %add3A_338 : i32
      %add3A_340 = vector.broadcast %add3A_339 : i32 to vector<16xi32>
      %add3A_341 = arith.addi %add3A_340, %iota3A : vector<16xi32>
      %gt3A_342 = arith.cmpf ogt, %get3A_337, %scan3A_248 : vector<16xf32>
      %select_n3A_343 = arith.select %gt3A_342, %get3A_337, %scan3A_248 : vector<16xi1>, vector<16xf32>
      %select_n3A_344 = arith.select %gt3A_342, %add3A_341, %scan3A_256 : vector<16xi1>, vector<16xi32>
      %add3A_345 = arith.constant 112 : i32
      %add3A_346 = arith.addi %add3A_261, %add3A_345 : i32
      %get3A_347 = arith.index_cast %add3A_346 : i32 to index
      %get3A_348 = tpu.vector_load %arg5[%get3A_347] {strides = array<i32>} : memref<8192xf32, #tpu.memory_space<vmem>>, vector<16xf32>,
      %get3A_349 = vector.shape_cast %get3A_348 : vector<16xf32> to vector<16xf32>
      %add3A_350 = arith.constant 112 : i32
      %add3A_351 = arith.addi %add3A_261, %add3A_350 : i32
      %add3A_352 = vector.broadcast %add3A_351 : i32 to vector<16xi32>
      %add3A_353 = arith.addi %add3A_352, %iota3A : vector<16xi32>
      %gt3A_354 = arith.cmpf ogt, %get3A_349, %scan3A_249 : vector<16xf32>
      %select_n3A_355 = arith.select %gt3A_354, %get3A_349, %scan3A_249 : vector<16xi1>, vector<16xf32>
      %select_n3A_356 = arith.select %gt3A_354, %add3A_353, %scan3A_257 : vector<16xi1>, vector<16xi32>
      scf.yield %select_n3A_271, %select_n3A_283, %select_n3A_295, %select_n3A_307, %select_n3A_319, %select_n3A_331, %select_n3A_343, %select_n3A_355, %select_n3A_272, %select_n3A_284, %select_n3A_296, %select_n3A_308, %select_n3A_320, %select_n3A_332, %select_n3A_344, %select_n3A_356 : vector<16xf32>, vector<16xf32>, vector<16xf32>, vector<16xf32>, vector<16xf32>, vector<16xf32>, vector<16xf32>, vector<16xf32>, vector<16xi32>, vector<16xi32>, vector<16xi32>, vector<16xi32>, vector<16xi32>, vector<16xi32>, vector<16xi32>, vector<16xi32>
    }
    %scan3A_49 = arith.constant 32 : i32
    %dma_wait3A_50 = arith.constant 4096 : i32
    %dma_wait3A_51 = tpu.memref_slice %arg5[%dma_wait3A_50] : memref<8192xf32, #tpu.memory_space<vmem>> -> memref<4096xf32, #tpu.memory_space<vmem>>
    %dma_wait3A_52 = arith.constant 4096 : i32
    %dma_wait3A_53 = tpu.memref_slice %arg3[%arg1, %dma_wait3A_52] : memref<16x8192xf32, #tpu.memory_space<hbm>> -> memref<1x4096xf32, #tpu.memory_space<hbm>>
    %dma_wait3A_54 = tpu.memref_squeeze %dma_wait3A_53 : memref<1x4096xf32, #tpu.memory_space<hbm>> -> memref<4096xf32, #tpu.memory_space<hbm>>
    %dma_wait3A_55 = arith.constant 4096 : i32
    %dma_wait3A_56 = tpu.memref_slice %arg5[%dma_wait3A_55] : memref<8192xf32, #tpu.memory_space<vmem>> -> memref<4096xf32, #tpu.memory_space<vmem>>
    %dma_wait3A_57 = arith.constant 4096 : i32
    %dma_wait3A_58 = tpu.memref_slice %arg3[%arg1, %dma_wait3A_57] : memref<16x8192xf32, #tpu.memory_space<hbm>> -> memref<1x4096xf32, #tpu.memory_space<hbm>>
    %dma_wait3A_59 = tpu.memref_squeeze %dma_wait3A_58 : memref<1x4096xf32, #tpu.memory_space<hbm>> -> memref<4096xf32, #tpu.memory_space<hbm>>
    tpu.wait_dma2 semaphore(%arg9 : memref<!tpu.dma_semaphore, #tpu.memory_space<semaphore_mem>>) src(%dma_wait3A_59 : memref<4096xf32, #tpu.memory_space<hbm>>) dst(%dma_wait3A_56 : memref<4096xf32, #tpu.memory_space<vmem>>)
    %scan3A_60 = arith.constant 0 : i32
    %scan3A_61 = arith.constant 32 : i32
    %scan3A_62 = arith.addi %scan3A_60, %scan3A_61 : i32
    %scan3A_63 = arith.constant 1 : i32
    %scan3A_64:16 = scf.for %scan3A_241 = %scan3A_60 to %scan3A_62 step %scan3A_63 iter_args(%scan3A_242 = %scan3A_48#0, %scan3A_243 = %scan3A_48#1, %scan3A_244 = %scan3A_48#2, %scan3A_245 = %scan3A_48#3, %scan3A_246 = %scan3A_48#4, %scan3A_247 = %scan3A_48#5, %scan3A_248 = %scan3A_48#6, %scan3A_249 = %scan3A_48#7, %scan3A_250 = %scan3A_48#8, %scan3A_251 = %scan3A_48#9, %scan3A_252 = %scan3A_48#10, %scan3A_253 = %scan3A_48#11, %scan3A_254 = %scan3A_48#12, %scan3A_255 = %scan3A_48#13, %scan3A_256 = %scan3A_48#14, %scan3A_257 = %scan3A_48#15) -> (vector<16xf32>, vector<16xf32>, vector<16xf32>, vector<16xf32>, vector<16xf32>, vector<16xf32>, vector<16xf32>, vector<16xf32>, vector<16xi32>, vector<16xi32>, vector<16xi32>, vector<16xi32>, vector<16xi32>, vector<16xi32>, vector<16xi32>, vector<16xi32>)  : i32 {
      %mul3A_258 = arith.constant 128 : i32
      %mul3A_259 = arith.muli %scan3A_241, %mul3A_258 : i32
      %add3A_260 = arith.constant 4096 : i32
      %add3A_261 = arith.addi %add3A_260, %mul3A_259 : i32
      %add3A_262 = arith.constant 0 : i32
      %add3A_263 = arith.addi %add3A_261, %add3A_262 : i32
      %get3A = arith.index_cast %add3A_263 : i32 to index
      %get3A_264 = tpu.vector_load %arg5[%get3A] {strides = array<i32>} : memref<8192xf32, #tpu.memory_space<vmem>>, vector<16xf32>,
      %get3A_265 = vector.shape_cast %get3A_264 : vector<16xf32> to vector<16xf32>
      %add3A_266 = arith.constant 0 : i32
      %add3A_267 = arith.addi %add3A_261, %add3A_266 : i32
      %add3A_268 = vector.broadcast %add3A_267 : i32 to vector<16xi32>
      %add3A_269 = arith.addi %add3A_268, %iota3A : vector<16xi32>
      %gt3A_270 = arith.cmpf ogt, %get3A_265, %scan3A_242 : vector<16xf32>
      %select_n3A_271 = arith.select %gt3A_270, %get3A_265, %scan3A_242 : vector<16xi1>, vector<16xf32>
      %select_n3A_272 = arith.select %gt3A_270, %add3A_269, %scan3A_250 : vector<16xi1>, vector<16xi32>
      %add3A_273 = arith.constant 16 : i32
      %add3A_274 = arith.addi %add3A_261, %add3A_273 : i32
      %get3A_275 = arith.index_cast %add3A_274 : i32 to index
      %get3A_276 = tpu.vector_load %arg5[%get3A_275] {strides = array<i32>} : memref<8192xf32, #tpu.memory_space<vmem>>, vector<16xf32>,
      %get3A_277 = vector.shape_cast %get3A_276 : vector<16xf32> to vector<16xf32>
      %add3A_278 = arith.constant 16 : i32
      %add3A_279 = arith.addi %add3A_261, %add3A_278 : i32
      %add3A_280 = vector.broadcast %add3A_279 : i32 to vector<16xi32>
      %add3A_281 = arith.addi %add3A_280, %iota3A : vector<16xi32>
      %gt3A_282 = arith.cmpf ogt, %get3A_277, %scan3A_243 : vector<16xf32>
      %select_n3A_283 = arith.select %gt3A_282, %get3A_277, %scan3A_243 : vector<16xi1>, vector<16xf32>
      %select_n3A_284 = arith.select %gt3A_282, %add3A_281, %scan3A_251 : vector<16xi1>, vector<16xi32>
      %add3A_285 = arith.constant 32 : i32
      %add3A_286 = arith.addi %add3A_261, %add3A_285 : i32
      %get3A_287 = arith.index_cast %add3A_286 : i32 to index
      %get3A_288 = tpu.vector_load %arg5[%get3A_287] {strides = array<i32>} : memref<8192xf32, #tpu.memory_space<vmem>>, vector<16xf32>,
      %get3A_289 = vector.shape_cast %get3A_288 : vector<16xf32> to vector<16xf32>
      %add3A_290 = arith.constant 32 : i32
      %add3A_291 = arith.addi %add3A_261, %add3A_290 : i32
      %add3A_292 = vector.broadcast %add3A_291 : i32 to vector<16xi32>
      %add3A_293 = arith.addi %add3A_292, %iota3A : vector<16xi32>
      %gt3A_294 = arith.cmpf ogt, %get3A_289, %scan3A_244 : vector<16xf32>
      %select_n3A_295 = arith.select %gt3A_294, %get3A_289, %scan3A_244 : vector<16xi1>, vector<16xf32>
      %select_n3A_296 = arith.select %gt3A_294, %add3A_293, %scan3A_252 : vector<16xi1>, vector<16xi32>
      %add3A_297 = arith.constant 48 : i32
      %add3A_298 = arith.addi %add3A_261, %add3A_297 : i32
      %get3A_299 = arith.index_cast %add3A_298 : i32 to index
      %get3A_300 = tpu.vector_load %arg5[%get3A_299] {strides = array<i32>} : memref<8192xf32, #tpu.memory_space<vmem>>, vector<16xf32>,
      %get3A_301 = vector.shape_cast %get3A_300 : vector<16xf32> to vector<16xf32>
      %add3A_302 = arith.constant 48 : i32
      %add3A_303 = arith.addi %add3A_261, %add3A_302 : i32
      %add3A_304 = vector.broadcast %add3A_303 : i32 to vector<16xi32>
      %add3A_305 = arith.addi %add3A_304, %iota3A : vector<16xi32>
      %gt3A_306 = arith.cmpf ogt, %get3A_301, %scan3A_245 : vector<16xf32>
      %select_n3A_307 = arith.select %gt3A_306, %get3A_301, %scan3A_245 : vector<16xi1>, vector<16xf32>
      %select_n3A_308 = arith.select %gt3A_306, %add3A_305, %scan3A_253 : vector<16xi1>, vector<16xi32>
      %add3A_309 = arith.constant 64 : i32
      %add3A_310 = arith.addi %add3A_261, %add3A_309 : i32
      %get3A_311 = arith.index_cast %add3A_310 : i32 to index
      %get3A_312 = tpu.vector_load %arg5[%get3A_311] {strides = array<i32>} : memref<8192xf32, #tpu.memory_space<vmem>>, vector<16xf32>,
      %get3A_313 = vector.shape_cast %get3A_312 : vector<16xf32> to vector<16xf32>
      %add3A_314 = arith.constant 64 : i32
      %add3A_315 = arith.addi %add3A_261, %add3A_314 : i32
      %add3A_316 = vector.broadcast %add3A_315 : i32 to vector<16xi32>
      %add3A_317 = arith.addi %add3A_316, %iota3A : vector<16xi32>
      %gt3A_318 = arith.cmpf ogt, %get3A_313, %scan3A_246 : vector<16xf32>
      %select_n3A_319 = arith.select %gt3A_318, %get3A_313, %scan3A_246 : vector<16xi1>, vector<16xf32>
      %select_n3A_320 = arith.select %gt3A_318, %add3A_317, %scan3A_254 : vector<16xi1>, vector<16xi32>
      %add3A_321 = arith.constant 80 : i32
      %add3A_322 = arith.addi %add3A_261, %add3A_321 : i32
      %get3A_323 = arith.index_cast %add3A_322 : i32 to index
      %get3A_324 = tpu.vector_load %arg5[%get3A_323] {strides = array<i32>} : memref<8192xf32, #tpu.memory_space<vmem>>, vector<16xf32>,
      %get3A_325 = vector.shape_cast %get3A_324 : vector<16xf32> to vector<16xf32>
      %add3A_326 = arith.constant 80 : i32
      %add3A_327 = arith.addi %add3A_261, %add3A_326 : i32
      %add3A_328 = vector.broadcast %add3A_327 : i32 to vector<16xi32>
      %add3A_329 = arith.addi %add3A_328, %iota3A : vector<16xi32>
      %gt3A_330 = arith.cmpf ogt, %get3A_325, %scan3A_247 : vector<16xf32>
      %select_n3A_331 = arith.select %gt3A_330, %get3A_325, %scan3A_247 : vector<16xi1>, vector<16xf32>
      %select_n3A_332 = arith.select %gt3A_330, %add3A_329, %scan3A_255 : vector<16xi1>, vector<16xi32>
      %add3A_333 = arith.constant 96 : i32
      %add3A_334 = arith.addi %add3A_261, %add3A_333 : i32
      %get3A_335 = arith.index_cast %add3A_334 : i32 to index
      %get3A_336 = tpu.vector_load %arg5[%get3A_335] {strides = array<i32>} : memref<8192xf32, #tpu.memory_space<vmem>>, vector<16xf32>,
      %get3A_337 = vector.shape_cast %get3A_336 : vector<16xf32> to vector<16xf32>
      %add3A_338 = arith.constant 96 : i32
      %add3A_339 = arith.addi %add3A_261, %add3A_338 : i32
      %add3A_340 = vector.broadcast %add3A_339 : i32 to vector<16xi32>
      %add3A_341 = arith.addi %add3A_340, %iota3A : vector<16xi32>
      %gt3A_342 = arith.cmpf ogt, %get3A_337, %scan3A_248 : vector<16xf32>
      %select_n3A_343 = arith.select %gt3A_342, %get3A_337, %scan3A_248 : vector<16xi1>, vector<16xf32>
      %select_n3A_344 = arith.select %gt3A_342, %add3A_341, %scan3A_256 : vector<16xi1>, vector<16xi32>
      %add3A_345 = arith.constant 112 : i32
      %add3A_346 = arith.addi %add3A_261, %add3A_345 : i32
      %get3A_347 = arith.index_cast %add3A_346 : i32 to index
      %get3A_348 = tpu.vector_load %arg5[%get3A_347] {strides = array<i32>} : memref<8192xf32, #tpu.memory_space<vmem>>, vector<16xf32>,
      %get3A_349 = vector.shape_cast %get3A_348 : vector<16xf32> to vector<16xf32>
      %add3A_350 = arith.constant 112 : i32
      %add3A_351 = arith.addi %add3A_261, %add3A_350 : i32
      %add3A_352 = vector.broadcast %add3A_351 : i32 to vector<16xi32>
      %add3A_353 = arith.addi %add3A_352, %iota3A : vector<16xi32>
      %gt3A_354 = arith.cmpf ogt, %get3A_349, %scan3A_249 : vector<16xf32>
      %select_n3A_355 = arith.select %gt3A_354, %get3A_349, %scan3A_249 : vector<16xi1>, vector<16xf32>
      %select_n3A_356 = arith.select %gt3A_354, %add3A_353, %scan3A_257 : vector<16xi1>, vector<16xi32>
      scf.yield %select_n3A_271, %select_n3A_283, %select_n3A_295, %select_n3A_307, %select_n3A_319, %select_n3A_331, %select_n3A_343, %select_n3A_355, %select_n3A_272, %select_n3A_284, %select_n3A_296, %select_n3A_308, %select_n3A_320, %select_n3A_332, %select_n3A_344, %select_n3A_356 : vector<16xf32>, vector<16xf32>, vector<16xf32>, vector<16xf32>, vector<16xf32>, vector<16xf32>, vector<16xf32>, vector<16xf32>, vector<16xi32>, vector<16xi32>, vector<16xi32>, vector<16xi32>, vector<16xi32>, vector<16xi32>, vector<16xi32>, vector<16xi32>
    }
    %scan3A_65 = arith.constant 32 : i32
    %gt3A = arith.cmpf ogt, %scan3A_64#4, %scan3A_64#0 : vector<16xf32>
    %eq3A = arith.cmpf oeq, %scan3A_64#4, %scan3A_64#0 : vector<16xf32>
    %lt3A = arith.cmpi slt, %scan3A_64#12, %scan3A_64#8 : vector<16xi32>
    %and3A = arith.andi %eq3A, %lt3A : vector<16xi1>
    %or3A = arith.ori %gt3A, %and3A : vector<16xi1>
    %select_n3A = arith.select %or3A, %scan3A_64#4, %scan3A_64#0 : vector<16xi1>, vector<16xf32>
    %select_n3A_66 = arith.select %or3A, %scan3A_64#12, %scan3A_64#8 : vector<16xi1>, vector<16xi32>
    %gt3A_67 = arith.cmpf ogt, %scan3A_64#5, %scan3A_64#1 : vector<16xf32>
    %eq3A_68 = arith.cmpf oeq, %scan3A_64#5, %scan3A_64#1 : vector<16xf32>
    %lt3A_69 = arith.cmpi slt, %scan3A_64#13, %scan3A_64#9 : vector<16xi32>
    %and3A_70 = arith.andi %eq3A_68, %lt3A_69 : vector<16xi1>
    %or3A_71 = arith.ori %gt3A_67, %and3A_70 : vector<16xi1>
    %select_n3A_72 = arith.select %or3A_71, %scan3A_64#5, %scan3A_64#1 : vector<16xi1>, vector<16xf32>
    %select_n3A_73 = arith.select %or3A_71, %scan3A_64#13, %scan3A_64#9 : vector<16xi1>, vector<16xi32>
    %gt3A_74 = arith.cmpf ogt, %scan3A_64#6, %scan3A_64#2 : vector<16xf32>
    %eq3A_75 = arith.cmpf oeq, %scan3A_64#6, %scan3A_64#2 : vector<16xf32>
    %lt3A_76 = arith.cmpi slt, %scan3A_64#14, %scan3A_64#10 : vector<16xi32>
    %and3A_77 = arith.andi %eq3A_75, %lt3A_76 : vector<16xi1>
    %or3A_78 = arith.ori %gt3A_74, %and3A_77 : vector<16xi1>
    %select_n3A_79 = arith.select %or3A_78, %scan3A_64#6, %scan3A_64#2 : vector<16xi1>, vector<16xf32>
    %select_n3A_80 = arith.select %or3A_78, %scan3A_64#14, %scan3A_64#10 : vector<16xi1>, vector<16xi32>
    %gt3A_81 = arith.cmpf ogt, %scan3A_64#7, %scan3A_64#3 : vector<16xf32>
    %eq3A_82 = arith.cmpf oeq, %scan3A_64#7, %scan3A_64#3 : vector<16xf32>
    %lt3A_83 = arith.cmpi slt, %scan3A_64#15, %scan3A_64#11 : vector<16xi32>
    %and3A_84 = arith.andi %eq3A_82, %lt3A_83 : vector<16xi1>
    %or3A_85 = arith.ori %gt3A_81, %and3A_84 : vector<16xi1>
    %select_n3A_86 = arith.select %or3A_85, %scan3A_64#7, %scan3A_64#3 : vector<16xi1>, vector<16xf32>
    %select_n3A_87 = arith.select %or3A_85, %scan3A_64#15, %scan3A_64#11 : vector<16xi1>, vector<16xi32>
    %gt3A_88 = arith.cmpf ogt, %select_n3A_79, %select_n3A : vector<16xf32>
    %eq3A_89 = arith.cmpf oeq, %select_n3A_79, %select_n3A : vector<16xf32>
    %lt3A_90 = arith.cmpi slt, %select_n3A_80, %select_n3A_66 : vector<16xi32>
    %and3A_91 = arith.andi %eq3A_89, %lt3A_90 : vector<16xi1>
    %or3A_92 = arith.ori %gt3A_88, %and3A_91 : vector<16xi1>
    %select_n3A_93 = arith.select %or3A_92, %select_n3A_79, %select_n3A : vector<16xi1>, vector<16xf32>
    %select_n3A_94 = arith.select %or3A_92, %select_n3A_80, %select_n3A_66 : vector<16xi1>, vector<16xi32>
    %gt3A_95 = arith.cmpf ogt, %select_n3A_86, %select_n3A_72 : vector<16xf32>
    %eq3A_96 = arith.cmpf oeq, %select_n3A_86, %select_n3A_72 : vector<16xf32>
    %lt3A_97 = arith.cmpi slt, %select_n3A_87, %select_n3A_73 : vector<16xi32>
    %and3A_98 = arith.andi %eq3A_96, %lt3A_97 : vector<16xi1>
    %or3A_99 = arith.ori %gt3A_95, %and3A_98 : vector<16xi1>
    %select_n3A_100 = arith.select %or3A_99, %select_n3A_86, %select_n3A_72 : vector<16xi1>, vector<16xf32>
    %select_n3A_101 = arith.select %or3A_99, %select_n3A_87, %select_n3A_73 : vector<16xi1>, vector<16xi32>
    %gt3A_102 = arith.cmpf ogt, %select_n3A_100, %select_n3A_93 : vector<16xf32>
    %eq3A_103 = arith.cmpf oeq, %select_n3A_100, %select_n3A_93 : vector<16xf32>
    %lt3A_104 = arith.cmpi slt, %select_n3A_101, %select_n3A_94 : vector<16xi32>
    %and3A_105 = arith.andi %eq3A_103, %lt3A_104 : vector<16xi1>
    %or3A_106 = arith.ori %gt3A_102, %and3A_105 : vector<16xi1>
    %select_n3A_107 = arith.select %or3A_106, %select_n3A_100, %select_n3A_93 : vector<16xi1>, vector<16xf32>
    %select_n3A_108 = arith.select %or3A_106, %select_n3A_101, %select_n3A_94 : vector<16xi1>, vector<16xi32>
    %xor3A = arith.constant 8 : i32
    %xor3A_109 = vector.broadcast %xor3A : i32 to vector<16xi32>
    %xor3A_110 = arith.xori %iota3A, %xor3A_109 : vector<16xi32>
    %lt3A_111 = arith.constant 0 : i32
    %lt3A_112 = vector.broadcast %lt3A_111 : i32 to vector<16xi32>
    %lt3A_113 = arith.cmpi slt, %xor3A_110, %lt3A_112 : vector<16xi32>
    %add3A = arith.constant 16 : i32
    %add3A_114 = vector.broadcast %add3A : i32 to vector<16xi32>
    %add3A_115 = arith.addi %xor3A_110, %add3A_114 : vector<16xi32>
    %select_n3A_116 = arith.select %lt3A_113, %add3A_115, %xor3A_110 : vector<16xi1>, vector<16xi32>
    %reshape3A = vector.shape_cast %select_n3A_116 : vector<16xi32> to vector<16x1xi32>
    %gather3A = vector.shape_cast %reshape3A : vector<16x1xi32> to vector<16xi32>
    %gather3A_117 = tpu.dynamic_gather %select_n3A_107[%gather3A] in [0] : vector<16xf32>, vector<16xi32> -> vector<16xf32>
    %lt3A_118 = arith.constant 0 : i32
    %lt3A_119 = vector.broadcast %lt3A_118 : i32 to vector<16xi32>
    %lt3A_120 = arith.cmpi slt, %xor3A_110, %lt3A_119 : vector<16xi32>
    %add3A_121 = arith.constant 16 : i32
    %add3A_122 = vector.broadcast %add3A_121 : i32 to vector<16xi32>
    %add3A_123 = arith.addi %xor3A_110, %add3A_122 : vector<16xi32>
    %select_n3A_124 = arith.select %lt3A_120, %add3A_123, %xor3A_110 : vector<16xi1>, vector<16xi32>
    %reshape3A_125 = vector.shape_cast %select_n3A_124 : vector<16xi32> to vector<16x1xi32>
    %gather3A_126 = vector.shape_cast %reshape3A_125 : vector<16x1xi32> to vector<16xi32>
    %gather3A_127 = tpu.dynamic_gather %select_n3A_108[%gather3A_126] in [0] : vector<16xi32>, vector<16xi32> -> vector<16xi32>
    %gt3A_128 = arith.cmpf ogt, %gather3A_117, %select_n3A_107 : vector<16xf32>
    %eq3A_129 = arith.cmpf oeq, %gather3A_117, %select_n3A_107 : vector<16xf32>
    %lt3A_130 = arith.cmpi slt, %gather3A_127, %select_n3A_108 : vector<16xi32>
    %and3A_131 = arith.andi %eq3A_129, %lt3A_130 : vector<16xi1>
    %or3A_132 = arith.ori %gt3A_128, %and3A_131 : vector<16xi1>
    %select_n3A_133 = arith.select %or3A_132, %gather3A_117, %select_n3A_107 : vector<16xi1>, vector<16xf32>
    %select_n3A_134 = arith.select %or3A_132, %gather3A_127, %select_n3A_108 : vector<16xi1>, vector<16xi32>
    %xor3A_135 = arith.constant 4 : i32
    %xor3A_136 = vector.broadcast %xor3A_135 : i32 to vector<16xi32>
    %xor3A_137 = arith.xori %iota3A, %xor3A_136 : vector<16xi32>
    %lt3A_138 = arith.constant 0 : i32
    %lt3A_139 = vector.broadcast %lt3A_138 : i32 to vector<16xi32>
    %lt3A_140 = arith.cmpi slt, %xor3A_137, %lt3A_139 : vector<16xi32>
    %add3A_141 = arith.constant 16 : i32
    %add3A_142 = vector.broadcast %add3A_141 : i32 to vector<16xi32>
    %add3A_143 = arith.addi %xor3A_137, %add3A_142 : vector<16xi32>
    %select_n3A_144 = arith.select %lt3A_140, %add3A_143, %xor3A_137 : vector<16xi1>, vector<16xi32>
    %reshape3A_145 = vector.shape_cast %select_n3A_144 : vector<16xi32> to vector<16x1xi32>
    %gather3A_146 = vector.shape_cast %reshape3A_145 : vector<16x1xi32> to vector<16xi32>
    %gather3A_147 = tpu.dynamic_gather %select_n3A_133[%gather3A_146] in [0] : vector<16xf32>, vector<16xi32> -> vector<16xf32>
    %lt3A_148 = arith.constant 0 : i32
    %lt3A_149 = vector.broadcast %lt3A_148 : i32 to vector<16xi32>
    %lt3A_150 = arith.cmpi slt, %xor3A_137, %lt3A_149 : vector<16xi32>
    %add3A_151 = arith.constant 16 : i32
    %add3A_152 = vector.broadcast %add3A_151 : i32 to vector<16xi32>
    %add3A_153 = arith.addi %xor3A_137, %add3A_152 : vector<16xi32>
    %select_n3A_154 = arith.select %lt3A_150, %add3A_153, %xor3A_137 : vector<16xi1>, vector<16xi32>
    %reshape3A_155 = vector.shape_cast %select_n3A_154 : vector<16xi32> to vector<16x1xi32>
    %gather3A_156 = vector.shape_cast %reshape3A_155 : vector<16x1xi32> to vector<16xi32>
    %gather3A_157 = tpu.dynamic_gather %select_n3A_134[%gather3A_156] in [0] : vector<16xi32>, vector<16xi32> -> vector<16xi32>
    %gt3A_158 = arith.cmpf ogt, %gather3A_147, %select_n3A_133 : vector<16xf32>
    %eq3A_159 = arith.cmpf oeq, %gather3A_147, %select_n3A_133 : vector<16xf32>
    %lt3A_160 = arith.cmpi slt, %gather3A_157, %select_n3A_134 : vector<16xi32>
    %and3A_161 = arith.andi %eq3A_159, %lt3A_160 : vector<16xi1>
    %or3A_162 = arith.ori %gt3A_158, %and3A_161 : vector<16xi1>
    %select_n3A_163 = arith.select %or3A_162, %gather3A_147, %select_n3A_133 : vector<16xi1>, vector<16xf32>
    %select_n3A_164 = arith.select %or3A_162, %gather3A_157, %select_n3A_134 : vector<16xi1>, vector<16xi32>
    %xor3A_165 = arith.constant 2 : i32
    %xor3A_166 = vector.broadcast %xor3A_165 : i32 to vector<16xi32>
    %xor3A_167 = arith.xori %iota3A, %xor3A_166 : vector<16xi32>
    %lt3A_168 = arith.constant 0 : i32
    %lt3A_169 = vector.broadcast %lt3A_168 : i32 to vector<16xi32>
    %lt3A_170 = arith.cmpi slt, %xor3A_167, %lt3A_169 : vector<16xi32>
    %add3A_171 = arith.constant 16 : i32
    %add3A_172 = vector.broadcast %add3A_171 : i32 to vector<16xi32>
    %add3A_173 = arith.addi %xor3A_167, %add3A_172 : vector<16xi32>
    %select_n3A_174 = arith.select %lt3A_170, %add3A_173, %xor3A_167 : vector<16xi1>, vector<16xi32>
    %reshape3A_175 = vector.shape_cast %select_n3A_174 : vector<16xi32> to vector<16x1xi32>
    %gather3A_176 = vector.shape_cast %reshape3A_175 : vector<16x1xi32> to vector<16xi32>
    %gather3A_177 = tpu.dynamic_gather %select_n3A_163[%gather3A_176] in [0] : vector<16xf32>, vector<16xi32> -> vector<16xf32>
    %lt3A_178 = arith.constant 0 : i32
    %lt3A_179 = vector.broadcast %lt3A_178 : i32 to vector<16xi32>
    %lt3A_180 = arith.cmpi slt, %xor3A_167, %lt3A_179 : vector<16xi32>
    %add3A_181 = arith.constant 16 : i32
    %add3A_182 = vector.broadcast %add3A_181 : i32 to vector<16xi32>
    %add3A_183 = arith.addi %xor3A_167, %add3A_182 : vector<16xi32>
    %select_n3A_184 = arith.select %lt3A_180, %add3A_183, %xor3A_167 : vector<16xi1>, vector<16xi32>
    %reshape3A_185 = vector.shape_cast %select_n3A_184 : vector<16xi32> to vector<16x1xi32>
    %gather3A_186 = vector.shape_cast %reshape3A_185 : vector<16x1xi32> to vector<16xi32>
    %gather3A_187 = tpu.dynamic_gather %select_n3A_164[%gather3A_186] in [0] : vector<16xi32>, vector<16xi32> -> vector<16xi32>
    %gt3A_188 = arith.cmpf ogt, %gather3A_177, %select_n3A_163 : vector<16xf32>
    %eq3A_189 = arith.cmpf oeq, %gather3A_177, %select_n3A_163 : vector<16xf32>
    %lt3A_190 = arith.cmpi slt, %gather3A_187, %select_n3A_164 : vector<16xi32>
    %and3A_191 = arith.andi %eq3A_189, %lt3A_190 : vector<16xi1>
    %or3A_192 = arith.ori %gt3A_188, %and3A_191 : vector<16xi1>
    %select_n3A_193 = arith.select %or3A_192, %gather3A_177, %select_n3A_163 : vector<16xi1>, vector<16xf32>
    %select_n3A_194 = arith.select %or3A_192, %gather3A_187, %select_n3A_164 : vector<16xi1>, vector<16xi32>
    %xor3A_195 = arith.constant 1 : i32
    %xor3A_196 = vector.broadcast %xor3A_195 : i32 to vector<16xi32>
    %xor3A_197 = arith.xori %iota3A, %xor3A_196 : vector<16xi32>
    %lt3A_198 = arith.constant 0 : i32
    %lt3A_199 = vector.broadcast %lt3A_198 : i32 to vector<16xi32>
    %lt3A_200 = arith.cmpi slt, %xor3A_197, %lt3A_199 : vector<16xi32>
    %add3A_201 = arith.constant 16 : i32
    %add3A_202 = vector.broadcast %add3A_201 : i32 to vector<16xi32>
    %add3A_203 = arith.addi %xor3A_197, %add3A_202 : vector<16xi32>
    %select_n3A_204 = arith.select %lt3A_200, %add3A_203, %xor3A_197 : vector<16xi1>, vector<16xi32>
    %reshape3A_205 = vector.shape_cast %select_n3A_204 : vector<16xi32> to vector<16x1xi32>
    %gather3A_206 = vector.shape_cast %reshape3A_205 : vector<16x1xi32> to vector<16xi32>
    %gather3A_207 = tpu.dynamic_gather %select_n3A_193[%gather3A_206] in [0] : vector<16xf32>, vector<16xi32> -> vector<16xf32>
    %lt3A_208 = arith.constant 0 : i32
    %lt3A_209 = vector.broadcast %lt3A_208 : i32 to vector<16xi32>
    %lt3A_210 = arith.cmpi slt, %xor3A_197, %lt3A_209 : vector<16xi32>
    %add3A_211 = arith.constant 16 : i32
    %add3A_212 = vector.broadcast %add3A_211 : i32 to vector<16xi32>
    %add3A_213 = arith.addi %xor3A_197, %add3A_212 : vector<16xi32>
    %select_n3A_214 = arith.select %lt3A_210, %add3A_213, %xor3A_197 : vector<16xi1>, vector<16xi32>
    %reshape3A_215 = vector.shape_cast %select_n3A_214 : vector<16xi32> to vector<16x1xi32>
    %gather3A_216 = vector.shape_cast %reshape3A_215 : vector<16x1xi32> to vector<16xi32>
    %gather3A_217 = tpu.dynamic_gather %select_n3A_194[%gather3A_216] in [0] : vector<16xi32>, vector<16xi32> -> vector<16xi32>
    %gt3A_218 = arith.cmpf ogt, %gather3A_207, %select_n3A_193 : vector<16xf32>
    %eq3A_219 = arith.cmpf oeq, %gather3A_207, %select_n3A_193 : vector<16xf32>
    %lt3A_220 = arith.cmpi slt, %gather3A_217, %select_n3A_194 : vector<16xi32>
    %and3A_221 = arith.andi %eq3A_219, %lt3A_220 : vector<16xi1>
    %or3A_222 = arith.ori %gt3A_218, %and3A_221 : vector<16xi1>
    %select_n3A_223 = arith.select %or3A_222, %gather3A_207, %select_n3A_193 : vector<16xi1>, vector<16xf32>
    %select_n3A_224 = arith.select %or3A_222, %gather3A_217, %select_n3A_194 : vector<16xi1>, vector<16xi32>
    %mul3A = arith.constant 8192 : i32
    %mul3A_225 = arith.muli %arg1, %mul3A : i32
    %add3A_226 = vector.broadcast %mul3A_225 : i32 to vector<16xi32>
    %add3A_227 = arith.addi %select_n3A_224, %add3A_226 : vector<16xi32>
    %swap3A = arith.constant 0 : index
    %swap3A_228 = tpu.vector_load %arg6[%swap3A] {strides = array<i32>} : memref<16xi32, #tpu.memory_space<vmem>>, vector<16xi32>,
    %swap3A_229 = vector.shape_cast %swap3A_228 : vector<16xi32> to vector<16xi32>
    %swap3A_230 = vector.shape_cast %add3A_227 : vector<16xi32> to vector<16xi32>
    tpu.vector_store %arg6[%swap3A], %swap3A_230 {strides = array<i32>} : memref<16xi32, #tpu.memory_space<vmem>>, vector<16xi32>,
    %dma_start3A_231 = arith.constant 0 : i32
    %dma_start3A_232 = tpu.memref_slice %arg6[%dma_start3A_231] : memref<16xi32, #tpu.memory_space<vmem>> -> memref<1xi32, #tpu.memory_space<vmem>>
    %dma_start3A_233 = arith.constant 0 : i32
    %dma_start3A_234 = arith.constant 0 : i32
    %dma_start3A_235 = tpu.memref_slice %arg2[%dma_start3A_233, %dma_start3A_234] : memref<131072x1024xf32, #tpu.memory_space<hbm>> -> memref<131072x1024xf32, #tpu.memory_space<hbm>>
    tpu.enqueue_indirect_dma source(%dma_start3A_235 : memref<131072x1024xf32, #tpu.memory_space<hbm>>) target(%arg7 : memref<1x1024xf32, #tpu.memory_space<vmem>>) offsets(%dma_start3A_232 : memref<1xi32, #tpu.memory_space<vmem>>) semaphore(%arg10 : memref<!tpu.dma_semaphore, #tpu.memory_space<semaphore_mem>>)
    %dma_wait3A_236 = arith.constant 0 : i32
    %dma_wait3A_237 = tpu.memref_slice %arg6[%dma_wait3A_236] : memref<16xi32, #tpu.memory_space<vmem>> -> memref<1xi32, #tpu.memory_space<vmem>>
    %dma_wait3A_238 = arith.constant 0 : i32
    %dma_wait3A_239 = arith.constant 0 : i32
    %dma_wait3A_240 = tpu.memref_slice %arg2[%dma_wait3A_238, %dma_wait3A_239] : memref<131072x1024xf32, #tpu.memory_space<hbm>> -> memref<131072x1024xf32, #tpu.memory_space<hbm>>
    tpu.wait_indirect_dma semaphore(%arg10 : memref<!tpu.dma_semaphore, #tpu.memory_space<semaphore_mem>>) src(%dma_wait3A_240 : memref<131072x1024xf32, #tpu.memory_space<hbm>>) dst(%arg7 : memref<1x1024xf32, #tpu.memory_space<vmem>>)
    "tpu.region"() ({
      %run_scoped3A = tpu.sem_alloc : memref<!tpu.dma_semaphore, #tpu.memory_space<semaphore_mem>>
      %dma_start3A_241 = arith.constant 0 : i32
      %dma_start3A_242 = tpu.memref_slice %arg4[%arg1, %dma_start3A_241] : memref<16x1024xf32, #tpu.memory_space<hbm>> -> memref<1x1024xf32, #tpu.memory_space<hbm>>
      %dma_start3A_243 = arith.constant 0 : i32
      %dma_start3A_244 = tpu.memref_slice %arg4[%arg1, %dma_start3A_243] : memref<16x1024xf32, #tpu.memory_space<hbm>> -> memref<1x1024xf32, #tpu.memory_space<hbm>>
      tpu.enqueue_dma source(%arg7 : memref<1x1024xf32, #tpu.memory_space<vmem>>) target(%dma_start3A_244 : memref<1x1024xf32, #tpu.memory_space<hbm>>) target_semaphore(%run_scoped3A : memref<!tpu.dma_semaphore, #tpu.memory_space<semaphore_mem>>)
      %dma_wait3A_245 = arith.constant 0 : i32
      %dma_wait3A_246 = tpu.memref_slice %arg4[%arg1, %dma_wait3A_245] : memref<16x1024xf32, #tpu.memory_space<hbm>> -> memref<1x1024xf32, #tpu.memory_space<hbm>>
      %dma_wait3A_247 = arith.constant 0 : i32
      %dma_wait3A_248 = tpu.memref_slice %arg4[%arg1, %dma_wait3A_247] : memref<16x1024xf32, #tpu.memory_space<hbm>> -> memref<1x1024xf32, #tpu.memory_space<hbm>>
      tpu.wait_dma2 semaphore(%run_scoped3A : memref<!tpu.dma_semaphore, #tpu.memory_space<semaphore_mem>>) src(%arg7 : memref<1x1024xf32, #tpu.memory_space<vmem>>) dst(%dma_wait3A_248 : memref<1x1024xf32, #tpu.memory_space<hbm>>)
      tpu.yield
    }) : () -> ()
    return
  }
}

</mosaic_0001>

<sc_bundles>
// kernel: kernel.3.cloned.1.call-start
scs
__scs_entry_jumppad:
0x0: {  	(pc) =	sbr.rel $0x88, $3  }
0x1: {  	(tag) =	ssettag $0x0;
	lr =	simm.s32 $0x1  }
0x2: {  	[smem:$0x3F9F] =	sst lr;
	_ =	strace $0xD0000000  }
0x3: {  	_ = 	snop  }
0x4: {  	_ = 	snop  }
0x5: {  	_ = 	snop  }
0x6: {  	_ = 	snop  }
0x7: {  	_ = 	snop  }
__scs_overlays_trampoline_lowered:
0x8: {  	[smem:$0x3FAE] =	sst s0  }
0x9: {  	[smem:$0x3FAF] =	sst s1  }
0xa: {  	[smem:$0x3FB0] =	sst s2  }
0xb: {  	[smem:$0x3FB1] =	sst s3  }
0xc: {  	[smem:$0x3FB2] =	sst s4  }
0xd: {  	[smem:$0x3FB3] =	sst s5  }
0xe: {  	[smem:$0x3FB4] =	sst s6  }
0xf: {  	[smem:$0x3FB5] =	sst s7  }
0x10: {  	[smem:$0x3FB6] =	sst s8  }
0x11: {  	[smem:$0x3FB7] =	sst s9;
	s0 =	simm.s32 @!p0 $0x0  }
0x12: {  	s1 =	sld [smem:$0x3F9D];
	s0 =	simm.s32 @p0 $0x1  }
0x13: {  	[smem:$0x3FB8] =	sst s0;
	s0 =	simm.s32 @!p1 $0x0  }
0x14: {  	s2 =	sld [smem:$0x3F9C];
	s0 =	simm.s32 @p1 $0x1  }
0x15: {  	[smem:$0x3FB9] =	sst s0;
	s0 =	simm.s32 @!p2 $0x0  }
0x16: {  	s3 =	sld [smem:$0x3FDB];
	s0 =	simm.s32 @p2 $0x1  }
0x17: {  	s4 =	simm.s32 $0x1BF5;
	[smem:$0x3FBB] =	sst s0  }
0x18: {  	s0 =	sld [smem:$0x3F9E];
	_ =	swait.ge [sflag:s4], $0x0  }
0x19: {  	s7 =	sld [smem:$0x3F9F]  }
0x1a: {  	s8 =	sadd.s32 $0xFFFFE003, lr  }
0x1b: {  	s9 =	sadd.s32 $0xFFFFFEF7, lr;
	s5 =	simm.s32 $0xFFFFFFFF;
	p2 =	slt.u32 s8, $0xFFFFF086  }
0x1c: {  	p1 =	slt.u32 s9, $0xF7A;
	s5 =	simm.s32 @!p2 $0x0  }
0x1d: {  	s5 =	simm.s32 @p1 $0x1;
	p0 =	seq.s32 s7, s2  }
0x1e: {  	s7 =	smul.u32 @!p0 $0xF7A, s2;
	p2 =	seq.s32 @!p0 s5, $0x0  }
0x1f: {  	s9 =	smul.u32 $0xF7A, s1;
	s8 =	simm.s32 @!p0 $0x1BF5;
	p2 =	por !p2, p0  }
0x20: {  	[sflag:s8] =	ssyncset.s32 @!p0 $0xFFFFF086;
	s6 =	sadd.s32 @!p0 s3, s7;
	s7 =	simm.s32 @!p0 $0x108  }
0x21: {  	s3 =	sadd.s32 s3, s9;
	s6 =	sadd.s32 @!p0 $0x88, s6;
	s7 =	simm.s32 @p2 $0x1082  }
0x22: {  	[simem:s7], [sflag:s8] =	dma.local @!p0 [hbm:s6], $0xF7A  }
0x23: {  	s9 =	sor.u32 $0xD0000000, s2;
	s6 =	simm.s32 $0x108;
	_ =	swait.ge @!p0 [sflag:s8], $0x0  }
0x24: {  	s3 =	sadd.s32 $0x88, s3;
	s6 =	simm.s32 @!p1 $0x1082;
	[sflag:s4] =	ssyncset.s32 $0xFFFFF086  }
0x25: {  	[simem:s6], [sflag:s4] =	dma.local [hbm:s3], $0xF7A  }
0x26: {  	[smem:$0x3F9F] =	sst s1;
	(tag) =	ssettag s2;
	_ =	strace s9  }
0x27: {  	s1 =	sld [smem:$0x3FAF]  }
0x28: {  	s2 =	sld [smem:$0x3FB0]  }
0x29: {  	s4 =	sld [smem:$0x3FB2]  }
0x2a: {  	p0 =	seq.s32 s5, $0x0;
	s5 =	sld [smem:$0x3FB3]  }
0x2b: {  	s6 =	sld [smem:$0x3FB4]  }
0x2c: {  	s7 =	sld [smem:$0x3FB5]  }
0x2d: {  	s3 =	simm.s32 $0x108;
	s8 =	sld [smem:$0x3FB6]  }
0x2e: {  	s3 =	simm.s32 @!p0 $0x1082;
	s9 =	sld [smem:$0x3FB7]  }
0x2f: {  	lr =	sadd.s32 s0, s3;
	s0 =	sld [smem:$0x3FAE]  }
0x30: {  	s3 =	sld [smem:$0x3FB1]  }
0x31: {  	[smem:$0x3FBA] =	sst s10  }
0x32: {  	s10 =	sld [smem:$0x3FB8];
	_ =	sdelay $0x3  }
0x33: {  	p0 =	seq.s32 s10, $0x1;
	s10 =	sld [smem:$0x3FBA];
	_ =	sdelay $0x3  }
0x34: {  	[smem:$0x3FBA] =	sst s10  }
0x35: {  	s10 =	sld [smem:$0x3FB9];
	_ =	sdelay $0x3  }
0x36: {  	p1 =	seq.s32 s10, $0x1;
	s10 =	sld [smem:$0x3FBA];
	_ =	sdelay $0x3  }
0x37: {  	[smem:$0x3FBA] =	sst s10  }
0x38: {  	s10 =	sld [smem:$0x3FBB]  }
0x39: {  	_ = 	snop;
	(pc) =	sbr.ind lr, $3  }
0x3a: {  	_ = 	snop  }
0x3b: {  	_ = 	snop  }
0x3c: {  	p2 =	seq.s32 s10, $0x1;
	s10 =	sld [smem:$0x3FBA]  }
0x3d: {  	_ =	shalt  }
0x3e: {  	_ =	shalt  }
0x3f: {  	_ =	shalt  }
0x40: {  	_ =	shalt  }
0x41: {  	_ =	shalt  }
0x42: {  	_ =	shalt  }
0x43: {  	_ =	shalt  }
0x44: {  	_ =	shalt  }
0x45: {  	_ =	shalt  }
0x46: {  	_ =	shalt  }
0x47: {  	_ =	shalt  }
0x48: {  	_ =	shalt  }
0x49: {  	_ =	shalt  }
0x4a: {  	_ =	shalt  }
0x4b: {  	_ =	shalt  }
0x4c: {  	_ =	shalt  }
0x4d: {  	_ =	shalt  }
0x4e: {  	_ =	shalt  }
0x4f: {  	_ =	shalt  }
0x50: {  	_ =	shalt  }
0x51: {  	_ =	shalt  }
0x52: {  	_ =	shalt  }
0x53: {  	_ =	shalt  }
0x54: {  	_ =	shalt  }
0x55: {  	_ =	shalt  }
0x56: {  	_ =	shalt  }
0x57: {  	_ =	shalt  }
0x58: {  	_ =	shalt  }
0x59: {  	_ =	shalt  }
0x5a: {  	_ =	shalt  }
0x5b: {  	_ =	shalt  }
0x5c: {  	_ =	shalt  }
0x5d: {  	_ =	shalt  }
0x5e: {  	_ =	shalt  }
0x5f: {  	_ =	shalt  }
0x60: {  	_ =	shalt  }
0x61: {  	_ =	shalt  }
0x62: {  	_ =	shalt  }
0x63: {  	_ =	shalt  }
0x64: {  	_ =	shalt  }
0x65: {  	_ =	shalt  }
0x66: {  	_ =	shalt  }
0x67: {  	_ =	shalt  }
0x68: {  	_ =	shalt  }
0x69: {  	_ =	shalt  }
0x6a: {  	_ =	shalt  }
0x6b: {  	_ =	shalt  }
0x6c: {  	_ =	shalt  }
0x6d: {  	_ =	shalt  }
0x6e: {  	_ =	shalt  }
0x6f: {  	_ =	shalt  }
0x70: {  	_ =	shalt  }
0x71: {  	_ =	shalt  }
0x72: {  	_ =	shalt  }
0x73: {  	_ =	shalt  }
0x74: {  	_ =	shalt  }
0x75: {  	_ =	shalt  }
0x76: {  	_ =	shalt  }
0x77: {  	_ =	shalt  }
0x78: {  	_ =	shalt  }
0x79: {  	_ =	shalt  }
0x7a: {  	_ =	shalt  }
0x7b: {  	_ =	shalt  }
0x7c: {  	_ =	shalt  }
0x7d: {  	_ =	shalt  }
0x7e: {  	_ =	shalt  }
0x7f: {  	_ =	shalt  }
0x80: {  	_ =	shalt  }
0x81: {  	_ =	shalt  }
0x82: {  	_ =	shalt  }
0x83: {  	_ =	shalt  }
0x84: {  	_ =	shalt  }
0x85: {  	_ =	shalt  }
0x86: {  	_ =	shalt  }
0x87: {  	_ =	shalt  }
.Lfunc_end0:
.L_simem_size_0:
called_computation_lowered:
.L_overlay_start_0:
0x88: {  	s0 =	sld [smem:$0x3FD9]  }
0x89: {  	s1 =	sld [smem:$0x3FFE];
	_ =	sdelay $0x3  }
0x8a: {  	s0 =	sadd.s32 s1, s0  }
0x8b: {  	[smem:$0x3FC6] =	sst s0  }
0x8c: {  	_ = 	snop  }
0x8d: {  	s0 =	sld [smem:$0x3FC9]  }
0x8e: {  	s17 =	sld [smem:$0x3FC8]  }
0x8f: {  	s2 =	sld [smem:$0x3FD0];
	(tm) =	ssettm $0x1  }
0x90: {  	s3 =	sld [smem:$0x3FFB];
	_ =	sdelay $0x3  }
0x91: {  	_ =	strace s3  }
0x92: {  	s3 =	sld [smem:$0x3FFC];
	_ =	sdelay $0x3  }
0x93: {  	_ =	strace s3  }
0x94: {  	s3 =	sld [smem:$0x3FFD];
	_ =	sdelay $0x3  }
0x95: {  	_ =	strace s3  }
0x96: {  	_ =	strace $0x8FFFFFFF  }
0x97: {  	s18 =	sld [smem:$0x3FDB];
	_ =	sdelay $0x1  }
0x98: {  	s4 =	simm.s32 $_scs_section_size  }
0x99: {  	s5 =	simm.s32 $_size__tile_overlayer_lowered;
	s6 =	simm.s32 $_tile_overlayer_lowered  }
0x9a: {  	s21 =	simm.s32 $0x1BFF;
	s20 =	sshll.u32 s6, $0x1;
	s3 =	sadd.s32 s4, s18  }
0x9b: {  	s7 =	simm.s32 $0x0;
	s19 =	sshll.u32 s5, $0x1;
	s5 =	sadd.s32 s20, s3  }
0x9c: {  	[timem:s7], [sflag:s21] =	dma.local [hbm:s5], s19  }
0x9d: {  	_ =	swait.ge [sflag:s21], s19  }
0x9e: {  	s4 =	ssub.s32 $0x0, s19;
	[sflag:s21] =	ssyncset.done $0x0  }
0x9f: {  	[sflag:s21] =	ssyncadd.s32 s4;
	_ =	sdelay $0x1  }
0xa0: {  	s22 =	simm.s32 $0x1B8B  }
0xa1: {  	_ =	swait.ge [sflag:s22], $0x1  }
0xa2: {  	[sflag:s22] =	ssyncset.done $0x0  }
0xa3: {  	s23 =	simm.s32 $0x1B8E;
	[sflag:s22] =	ssyncadd.s32 $0xFFFFFFFF  }
0xa4: {  	s24 =	simm.s32 $execute0_lowered;
	[smem:$0x3FD2] =	sst s23  }
0xa5: {  	s4 =	sshll.u32 s24, $0x1;
	_ =	strace $0x80000046;
	[dreg:$0x1] =	wrdreg $0xFFFFFFFF  }
0xa6: {  	s25 =	simm.s32 $_size_execute0_lowered;
	s3 =	sadd.s32 s3, s4;
	[dreg:$0x0] =	wrdreg $0x0  }
0xa7: {  	s4 =	sshll.u32 s25, $0x1;
	[dreg:$0x2] =	wrdreg s3  }
0xa8: {  	[dreg:$0x3] =	wrdreg s4  }
0xa9: {  	[dreg:$0x4] =	wrdreg $0xC0  }
0xaa: {  	_ =	task [dreg:s7], $0x5FFFF  }
0xab: {  	[dreg:$0x1] =	wrdreg $0xFFFFFFFF  }
0xac: {  	[dreg:$0x0] =	wrdreg $0x60  }
0xad: {  	[dreg:$0x2] =	wrdreg s0  }
0xae: {  	[dreg:$0x3] =	wrdreg s17  }
0xaf: {  	[dreg:$0x4] =	wrdreg s2  }
0xb0: {  	[dreg:$0x5] =	wrdreg $0x9  }
0xb1: {  	_ =	task.clear_ibuf [dreg:s7], $0x6FFFF;
	_ =	strace $0x90000046  }
0xb2: {  	s26 =	simm.s32 $0x9;
	_ =	strace $0x80000048  }
0xb3: {  	_ =	swait.ge [sflag:s26], $0x1  }
0xb4: {  	[sflag:s26] =	ssyncadd.s32 $0xFFFFFFFF  }
0xb5: {  	_ =	strace $0x90000048  }
0xb6: {  	_ =	sfence  }
0xb7: {  	s28 =	sld [smem:$0x0];
	_ =	sdelay $0x1  }
0xb8: {  	s29 =	srdreg.scid  }
0xb9: {  	s30 =	sshll.u32 s29, $0xD;
	s31 =	sshrl.u32 s29, $0x2  }
0xba: {  	s1 =	sand.u32 $0x1, s29;
	s2 =	sand.u32 $0x4000, s30;
	s0 =	sadd.s32 s31, s28  }
0xbb: {  	s1 =	sor.u32 s2, s1;
	s0 =	sshll.u32 s0, $0x11  }
0xbc: {  	s0 =	sor.u32 s0, s1  }
0xbd: {  	s0 =	sadd.s32 $0x8F2B, s0  }
0xbe: {  	[sflag:s0] =	ssyncadd.remote.s32 $0x1  }
0xbf: {  	_ =	sfence.sel $0xFFFF  }
0xc0: {  	[dreg:$0x0] =	wrdreg $0xFFFFFFFF;
	(pc) =	sbr.abs _section_cstart, $3  }
0xc1: {  	[dreg:$0x1] =	wrdreg $0xFFFFFFFF  }
0xc2: {  	_ =	task.clear_ibuf [dreg:s7], $0x2FFFF;
	_ =	strace $0x9FFFFFFF  }
0xc3: {  	(tm) =	ssettm $0x7FFFFFFF  }
tec
execute0_lowered:
.L_overlay_start_1:
0x0: {  	(tag) =	ssettag $0x1  }
0x1: {  	s3 =	rddreg [dreg:$0x0];
	s1 =	stileid.u32  }
0x2: {  	s6 =	rddreg [dreg:$0x1];
	s4 =	sshrl.u32 s1, $0x3;
	s5 =	sshll.u32 s1, $0x7  }
0x3: {  	s2 =	rddreg [dreg:$0x2];
	s5 =	sand.u32 $0x380, s5;
	s8 =	sshll.u32 s4, $0x10  }
0x4: {  	s0 =	rddreg [dreg:$0x3];
	s7 =	simm.s32 $0x0;
	s8 =	sor.u32 s5, s8  }
0x5: {  	s22 =	simm.s32 $0x80;
	[smem:$0x7FF] =	sst s7;
	s8 =	sshrl.u32 s8, $0x3  }
0x6: {  	s9 =	simm.s32 $0x400;
	_ =	strace $0x80000047;
	s6 =	sadd.s32 s6, s8  }
0x7: {  	[tilespmem:s7], [sflag:$0x1] =	stream.strided.gather [hbm4b:s6+s22], $0x1000, s9, s22, $0x38;
	[tilespmem:$0x2480] =	vst v63  }
0x8: {  	s23 =	simm.s32 $0x1000;
	s24 =	simm.s32 $0x1;
	s6 =	sadd.s32 $0x1000, s6  }
0x9: {  	[tilespmem:s23], [sflag:$0x2] =	stream.strided.gather [hbm4b:s6+s22], $0x1000, s9, s22, $0x38;
	[tilespmem:$0x2480] =	vst v63  }
0xa: {  	_ =	swait.ge [sflag:s24], $0x1000  }
0xb: {  	[sflag:s24] =	ssyncset.done $0x0  }
0xc: {  	s6 =	simm.s32 $0x40;
	[sflag:s24] =	ssyncadd.s32 $0xFFFFF000  }
0xd: {  	v2 =	vimm.f32 $-Inf;
	v3 =	vimm.s32 $0x0;
	v1 =	vlaneseq.u32;
	v4 =	vld [tilespmem:s6+$0xFFFFFFC0]  }
0xe: {  	v25 =	vimm.f32 $-Inf;
	v5 =	vimm.f32 $-Inf;
	v6 =	vimm.f32 $-Inf;
	v24 =	vld [tilespmem:s6+$0xFFFFFFD0]  }
0xf: {  	v7 =	vimm.f32 $-Inf;
	v8 =	vimm.f32 $-Inf;
	v9 =	vimm.f32 $-Inf;
	v22 =	vld [tilespmem:s6+$0xFFFFFFE0]  }
0x10: {  	v12 =	vimm.f32 $-Inf;
	v11 =	vimm.s32 $0x0;
	v15 =	vimm.s32 $0x0;
	v26 =	vld [tilespmem:s6+$0xFFFFFFF0]  }
0x11: {  	s25 =	simm.s32 $0x70;
	v16 =	vimm.s32 $0x0;
	v13 =	vimm.s32 $0x0;
	v19 =	vimm.s32 $0x0;
	v28 =	vld [tilespmem:s6+$0x0]  }
0x12: {  	s26 =	simm.s32 $0x0;
	s28 =	simm.s32 $0x10;
	s10 =	simm.s32 $0x20;
	v17 =	vimm.s32 $0x0;
	v18 =	vimm.s32 $0x0;
	v0 =	vor.u32 s25, v1;
	v27 =	vld [tilespmem:s6+$0x10]  }
0x13: {  	s29 =	simm.s32 $0x30;
	s30 =	simm.s32 $0x40;
	s31 =	simm.s32 $0x50;
	v31 =	vor.u32 s26, v1;
	v10 =	vor.u32 s28, v1;
	v14 =	vor.u32 s10, v1;
	v29 =	vld [tilespmem:s6+$0x20]  }
0x14: {  	v23 =	vor.u32 s29, v1;
	v20 =	vor.u32 s30, v1;
	v21 =	vor.u32 s31, v1;
	s8 =	simm.s32 $0x60;
	s7 =	simm.s32 $0xF0;
	v30 =	vld [tilespmem:s6+$0x30]  }
.LBB2_1:
0x15: {  	p0 =	sne.s32 s7, $0xFF0;
	vm0 =	vgt.f32 v4, v2;
	vm1 =	vgt.f32 v24, v25;
	v32 =	vor.u32 s8, v1  }
0x16: {  	v2 =	vsel vm0, v4, v2;
	v3 =	vsel vm0, v31, v3;
	v25 =	vsel vm1, v24, v25  }
0x17: {  	vm2 =	vgt.f32 v26, v6;
	s6 =	sadd.s32 $0x80, s6;
	vm0 =	vgt.f32 v22, v5;
	vm3 =	vgt.f32 v28, v7  }
0x18: {  	v6 =	vsel vm2, v26, v6;
	v5 =	vsel vm0, v22, v5;
	v7 =	vsel vm3, v28, v7;
	v4 =	vld [tilespmem:s6+$0xFFFFFFC0]  }
0x19: {  	vm4 =	vgt.f32 v27, v8;
	vm5 =	vgt.f32 v29, v9;
	v24 =	vld [tilespmem:s6+$0xFFFFFFD0];
	vm6 =	vgt.f32 v30, v12  }
0x1a: {  	v8 =	vsel vm4, v27, v8;
	v9 =	vsel vm5, v29, v9;
	v22 =	vld [tilespmem:s6+$0xFFFFFFE0];
	v12 =	vsel vm6, v30, v12  }
.Ltmp0:
0x1b: {  	v11 =	vsel vm1, v10, v11;
	v16 =	vsel vm2, v23, v16;
	v15 =	vsel vm0, v14, v15;
	v26 =	vld [tilespmem:s6+$0xFFFFFFF0];
	(pc) =	sbr.rel @p0 .LBB2_1-.Ltmp0, $4  }
0x1c: {  	v13 =	vsel vm3, v20, v13;
	v19 =	vsel vm4, v21, v19;
	v17 =	vsel vm5, v32, v17;
	v28 =	vld [tilespmem:s6+$0x0]  }
0x1d: {  	s8 =	sadd.s32 $0xFFFFFF90, s7;
	s9 =	sadd.s32 $0xFFFFFFA0, s7;
	s10 =	sadd.s32 $0xFFFFFFB0, s7;
	v18 =	vsel vm6, v0, v18;
	v0 =	vor.u32 s7, v1;
	v27 =	vld [tilespmem:s6+$0x10]  }
0x1e: {  	v31 =	vor.u32 s8, v1;
	v10 =	vor.u32 s9, v1;
	s8 =	sadd.s32 $0xFFFFFFC0, s7;
	s9 =	sadd.s32 $0xFFFFFFD0, s7;
	v14 =	vor.u32 s10, v1;
	s10 =	sadd.s32 $0xFFFFFFE0, s7;
	v29 =	vld [tilespmem:s6+$0x20]  }
0x1f: {  	v23 =	vor.u32 s8, v1;
	v20 =	vor.u32 s9, v1;
	s8 =	sadd.s32 $0xFFFFFFF0, s7;
	v21 =	vor.u32 s10, v1;
	s7 =	sadd.s32 $0x80, s7;
	v30 =	vld [tilespmem:s6+$0x30]  }
0x20: {  	s6 =	simm.s32 $0x2  }
0x21: {  	vm0 =	vgt.f32 v4, v2;
	vm1 =	vgt.f32 v24, v25;
	vm15 =	vgt.f32 v22, v5;
	_ =	swait.ge [sflag:s6], $0x1000  }
0x22: {  	vm2 =	vgt.f32 v26, v6;
	v2 =	vsel vm0, v4, v2;
	v4 =	vsel vm0, v31, v3;
	[sflag:s6] =	ssyncset.done $0x0  }
0x23: {  	v3 =	vsel vm1, v24, v25;
	vm3 =	vgt.f32 v28, v7;
	v5 =	vsel vm15, v22, v5;
	[sflag:s6] =	ssyncadd.s32 $0xFFFFF000;
	s6 =	simm.s32 $0x1070  }
0x24: {  	v6 =	vsel vm2, v26, v6;
	v26 =	vor.u32 s8, v1;
	v10 =	vsel vm1, v10, v11;
	v22 =	vld [tilespmem:s6+$0xFFFFFF90]  }
0x25: {  	v11 =	vsel vm15, v14, v15;
	v7 =	vsel vm3, v28, v7;
	vm4 =	vgt.f32 v27, v8;
	v25 =	vld [tilespmem:s6+$0xFFFFFFA0]  }
0x26: {  	v13 =	vsel vm3, v20, v13;
	vm5 =	vgt.f32 v29, v9;
	v8 =	vsel vm4, v27, v8;
	v24 =	vld [tilespmem:s6+$0xFFFFFFB0]  }
0x27: {  	s7 =	simm.s32 $0x1000;
	v14 =	vsel vm4, v21, v19;
	v19 =	vlaneseq.u32;
	vm6 =	vgt.f32 v30, v12;
	v20 =	vld [tilespmem:s6+$0xFFFFFFD0]  }
0x28: {  	s9 =	simm.s32 $0x1020;
	v1 =	vsel vm5, v29, v9;
	v15 =	vor.u32 s6, v19;
	v31 =	vor.u32 s7, v19;
	v29 =	vld [tilespmem:s6+$0xFFFFFFF0]  }
0x29: {  	s29 =	simm.s32 $0x1030;
	s31 =	simm.s32 $0x1050;
	v21 =	vor.u32 s9, v19;
	v9 =	vsel vm6, v30, v12;
	v12 =	vsel vm2, v23, v16;
	v23 =	vld [tilespmem:s6+$0xFFFFFFC0]  }
0x2a: {  	s28 =	simm.s32 $0x1010;
	s30 =	simm.s32 $0x1040;
	v28 =	vor.u32 s29, v19;
	v27 =	vor.u32 s31, v19;
	v16 =	vsel vm5, v26, v17;
	v17 =	vld [tilespmem:s6+$0xFFFFFFE0]  }
0x2b: {  	s8 =	simm.s32 $0x1060;
	s7 =	simm.s32 $0x10F0;
	v0 =	vsel vm6, v0, v18;
	v18 =	vor.u32 s28, v19;
	v26 =	vor.u32 s30, v19;
	v30 =	vld [tilespmem:s6+$0x0]  }
.LBB2_3:
0x2c: {  	p0 =	sne.s32 s7, $0x1FF0;
	vm0 =	vgt.f32 v22, v2;
	vm1 =	vgt.f32 v25, v3;
	v32 =	vor.u32 s8, v19  }
0x2d: {  	v2 =	vsel vm0, v22, v2;
	v4 =	vsel vm0, v31, v4;
	v3 =	vsel vm1, v25, v3  }
0x2e: {  	vm2 =	vgt.f32 v23, v6;
	s6 =	sadd.s32 $0x80, s6;
	vm0 =	vgt.f32 v24, v5;
	vm3 =	vgt.f32 v20, v7  }
0x2f: {  	v6 =	vsel vm2, v23, v6;
	v5 =	vsel vm0, v24, v5;
	v7 =	vsel vm3, v20, v7;
	v22 =	vld [tilespmem:s6+$0xFFFFFF90]  }
0x30: {  	vm4 =	vgt.f32 v17, v8;
	vm5 =	vgt.f32 v29, v1;
	v25 =	vld [tilespmem:s6+$0xFFFFFFA0];
	vm6 =	vgt.f32 v30, v9  }
0x31: {  	v8 =	vsel vm4, v17, v8;
	v1 =	vsel vm5, v29, v1;
	v24 =	vld [tilespmem:s6+$0xFFFFFFB0];
	v9 =	vsel vm6, v30, v9  }
.Ltmp1:
0x32: {  	v10 =	vsel vm1, v18, v10;
	v12 =	vsel vm2, v28, v12;
	v11 =	vsel vm0, v21, v11;
	v23 =	vld [tilespmem:s6+$0xFFFFFFC0];
	(pc) =	sbr.rel @p0 .LBB2_3-.Ltmp1, $4  }
0x33: {  	v13 =	vsel vm3, v26, v13;
	v14 =	vsel vm4, v27, v14;
	v16 =	vsel vm5, v32, v16;
	v20 =	vld [tilespmem:s6+$0xFFFFFFD0]  }
0x34: {  	s8 =	sadd.s32 $0xFFFFFF90, s7;
	s9 =	sadd.s32 $0xFFFFFFA0, s7;
	s10 =	sadd.s32 $0xFFFFFFB0, s7;
	v0 =	vsel vm6, v15, v0;
	v15 =	vor.u32 s7, v19;
	v17 =	vld [tilespmem:s6+$0xFFFFFFE0]  }
0x35: {  	v31 =	vor.u32 s8, v19;
	v18 =	vor.u32 s9, v19;
	s8 =	sadd.s32 $0xFFFFFFC0, s7;
	s9 =	sadd.s32 $0xFFFFFFD0, s7;
	v21 =	vor.u32 s10, v19;
	s10 =	sadd.s32 $0xFFFFFFE0, s7;
	v29 =	vld [tilespmem:s6+$0xFFFFFFF0]  }
0x36: {  	v28 =	vor.u32 s8, v19;
	v26 =	vor.u32 s9, v19;
	s8 =	sadd.s32 $0xFFFFFFF0, s7;
	v27 =	vor.u32 s10, v19;
	s7 =	sadd.s32 $0x80, s7;
	v30 =	vld [tilespmem:s6+$0x0]  }
0x37: {  	vm0 =	vgt.f32 v22, v2;
	vm1 =	vgt.f32 v25, v3  }
0x38: {  	v19 =	vor.u32 s8, v19;
	vm11 =	vgt.f32 v24, v5;
	vm2 =	vgt.f32 v23, v6  }
0x39: {  	v44 =	vimm.s32 $0xFEDCBA98;
	v45 =	vimm.s32 $0x76543210;
	v2 =	vsel vm0, v22, v2  }
0x3a: {  	v4 =	vsel vm0, v31, v4;
	v3 =	vsel vm1, v25, v3;
	vm3 =	vgt.f32 v20, v7  }
0x3b: {  	v5 =	vsel vm11, v24, v5;
	v6 =	vsel vm2, v23, v6;
	v10 =	vsel vm1, v18, v10  }
0x3c: {  	v11 =	vsel vm11, v21, v11;
	v12 =	vsel vm2, v28, v12;
	v7 =	vsel vm3, v20, v7  }
0x3d: {  	vm4 =	vgt.f32 v17, v8;
	v13 =	vsel vm3, v26, v13;
	vm5 =	vgt.f32 v29, v1  }
0x3e: {  	v8 =	vsel vm4, v17, v8;
	v14 =	vsel vm4, v27, v14;
	vm12 =	vgt.f32 v7, v2  }
0x3f: {  	vm13 =	veq.f32 v7, v2;
	vm14 =	vlt.s32 v13, v4;
	vm6 =	vgt.f32 v30, v9  }
0x40: {  	v1 =	vsel vm5, v29, v1;
	v16 =	vsel vm5, v19, v16;
	vm15 =	veq.f32 v8, v3  }
0x41: {  	vm4 =	vlt.s32 v14, v10;
	vm1 =	vmand vm13, vm14;
	vm8 =	vgt.f32 v8, v3  }
0x42: {  	v9 =	vsel vm6, v30, v9;
	vm3 =	vmand vm15, vm4;
	v0 =	vsel vm6, v15, v0  }
0x43: {  	vm0 =	vmor vm12, vm1;
	vm10 =	vgt.f32 v1, v5;
	vm11 =	veq.f32 v1, v5  }
0x44: {  	vm12 =	vlt.s32 v16, v11;
	vm9 =	vmor vm8, vm3;
	v2 =	vsel vm0, v7, v2  }
0x45: {  	v4 =	vsel vm0, v13, v4;
	vm2 =	vmand vm11, vm12;
	vm13 =	veq.f32 v9, v6  }
0x46: {  	vm14 =	vlt.s32 v0, v12;
	vm15 =	vgt.f32 v9, v6;
	v3 =	vsel vm9, v8, v3  }
0x47: {  	vm0 =	vmor vm10, vm2;
	vm3 =	vmand vm13, vm14;
	v41 =	vsel vm9, v14, v10  }
0x48: {  	v1 =	vsel vm0, v1, v5;
	vm6 =	vmor vm15, vm3;
	v42 =	vsel vm0, v16, v11  }
0x49: {  	v5 =	vunpack.c.l.s4.s8 v45;
	v6 =	vsel vm6, v9, v6;
	v0 =	vsel vm6, v0, v12  }
0x4a: {  	vm7 =	vgt.f32 v1, v2;
	vm8 =	veq.f32 v1, v2;
	vm9 =	vlt.s32 v42, v4  }
0x4b: {  	vm1 =	vmand vm8, vm9;
	vm10 =	veq.f32 v6, v3;
	vm11 =	vlt.s32 v0, v41  }
0x4c: {  	vm12 =	vgt.f32 v6, v3;
	vm0 =	vmor vm7, vm1;
	vm2 =	vmand vm10, vm11  }
0x4d: {  	vm1 =	vmor vm12, vm2;
	v43 =	vsel vm0, v42, v4;
	v4 =	vunpack.c.l.s4.s8 v44  }
0x4e: {  	v1 =	vsel vm0, v1, v2;
	v3 =	vsel vm1, v6, v3;
	v0 =	vsel vm1, v0, v41  }
0x4f: {  	vm13 =	veq.f32 v3, v1;
	vm1 =	vlt.s32 v0, v43;
	v4 =	vunpack.c.0.s8.s32 v4  }
0x50: {  	v5 =	vunpack.c.0.s8.s32 v5;
	vm14 =	vgt.f32 v3, v1;
	vm0 =	vmand vm13, vm1  }
0x51: {  	v47 =	vimm.s32 $0xBA98FEDC;
	vm0 =	vmor vm14, vm0;
	v46 =	vand.u32 $0xF, v4  }
0x52: {  	v48 =	vimm.s32 $0x32107654;
	v1 =	vsel vm0, v3, v1;
	v3 =	vcombine.low v46, v5  }
0x53: {  	v49 =	vunpack.c.l.s4.s8 v47;
	v50 =	vunpack.c.l.s4.s8 v48;
	v0 =	vsel vm0, v0, v43  }
0x54: {  	v53 =	vimm.s32 $0xDCFE98BA;
	v51 =	vperm.xlane v1, v3;
	v3 =	vperm.xlane v0, v3  }
0x55: {  	v54 =	vimm.s32 $0x54761032;
	v2 =	vunpack.c.0.s8.s32 v49;
	v4 =	vunpack.c.0.s8.s32 v50  }
0x56: {  	v5 =	vunpack.c.l.s4.s8 v54;
	vm15 =	veq.f32 v51, v1;
	vm4 =	vlt.s32 v3, v0  }
0x57: {  	v2 =	vcombine.low v4, v2;
	vm5 =	vgt.f32 v51, v1;
	vm0 =	vmand vm15, vm4  }
0x58: {  	v4 =	vunpack.c.l.s4.s8 v53;
	v5 =	vunpack.c.0.s8.s32 v5;
	vm0 =	vmor vm5, vm0  }
0x59: {  	v2 =	vand.u32 $0xF, v2;
	v1 =	vsel vm0, v51, v1;
	v0 =	vsel vm0, v3, v0  }
0x5a: {  	v4 =	vunpack.c.0.s8.s32 v4;
	v52 =	vperm.xlane v1, v2;
	v2 =	vperm.xlane v0, v2  }
0x5b: {  	v56 =	vimm.s32 $0xEFCDAB89  }
0x5c: {  	v55 =	vcombine.low v5, v4;
	vm7 =	veq.f32 v52, v1;
	vm8 =	vlt.s32 v2, v0  }
0x5d: {  	v57 =	vimm.s32 $0x67452301;
	vm6 =	vgt.f32 v52, v1;
	vm1 =	vmand vm7, vm8  }
0x5e: {  	v4 =	vunpack.c.l.s4.s8 v57;
	v3 =	vand.u32 $0xF, v55;
	vm0 =	vmor vm6, vm1  }
0x5f: {  	v1 =	vsel vm0, v52, v1;
	v0 =	vsel vm0, v2, v0;
	v2 =	vunpack.c.l.s4.s8 v56  }
0x60: {  	v58 =	vperm.xlane v1, v3;
	v3 =	vperm.xlane v0, v3  }
0x61: {  	v4 =	vunpack.c.0.s8.s32 v4;
	v2 =	vunpack.c.0.s8.s32 v2  }
0x62: {  	vm9 =	veq.f32 v58, v1;
	vm10 =	vlt.s32 v3, v0  }
0x63: {  	vm11 =	vgt.f32 v58, v1;
	vm0 =	vmand vm9, vm10;
	v2 =	vcombine.low v4, v2  }
0x64: {  	vm0 =	vmor vm11, vm0  }
0x65: {  	v1 =	vsel vm0, v58, v1;
	v0 =	vsel vm0, v3, v0;
	v2 =	vand.u32 $0xF, v2  }
0x66: {  	v59 =	vperm.xlane v1, v2;
	v2 =	vperm.xlane v0, v2;
	_ =	sdelay $0x1  }
0x67: {  	vm12 =	veq.f32 v59, v1;
	vm13 =	vlt.s32 v2, v0  }
0x68: {  	vm14 =	vgt.f32 v59, v1;
	vm0 =	vmand vm12, vm13  }
0x69: {  	vm0 =	vmor vm14, vm0  }
0x6a: {  	s6 =	sshll.u32 s1, $0xD;
	v0 =	vsel vm0, v2, v0  }
0x6b: {  	v0 =	vadd.s32 s6, v0  }
0x6c: {  	[tilespmem:$0x2000] =	vst v0  }
0x6d: {  	v0 =	vld.msk [tilespmem:$0x2000], $0x1;
	_ =	sdelay $0x4  }
0x6e: {  	v60 =	vshll.u32 v0, $0x3  }
0x6f: {  	v0 =	vand.u32 $0x7, v0;
	v1 =	vand.u32 $0xFFFFFFC0, v60  }
0x70: {  	v61 =	vimm.s32 $0x0;
	v62 =	vlaneseq.u32;
	v0 =	vor.u32 v0, v1  }
0x71: {  	v63 =	vmul.u32 $0x8, v62;
	v0 =	vperm.xlane v0, v61;
	_ =	sdelay $0x1  }
0x72: {  	v0 =	vadd.s32 v63, v0;
	_ =	sdelay $0x2  }
0x73: {  	s25 =	simm.s32 $0x0  }
0x74: {  	s7 =	simm.s32 $0x2080;
	s26 =	sshll.u32 s4, $0xD;
	s28 =	simm.s32 $0x3;
	vm15 =	vmmov $0xff  }
0x75: {  	[tilespmem:s7], [sflag:$0x3] =	stream.indirect_vreg.gather [hbm4b:s3+s25], $0x80, v0, vm15, $0xb8;
	[tilespmem:$0x2480] =	vst v63  }
0x76: {  	s29 =	simm.s32 $0x80;
	s3 =	sor.u32 s5, s26;
	_ =	swait.ge [sflag:s28], $0x400  }
0x77: {  	s30 =	simm.s32 $0x400;
	s3 =	sshrl.u32 s3, $0x3;
	[sflag:s28] =	ssyncset.done $0x0  }
0x78: {  	s31 =	simm.s32 $0x4;
	s2 =	sadd.s32 s2, s3;
	[sflag:s28] =	ssyncadd.s32 $0xFFFFFC00  }
0x79: {  	[hbm4b:s2+s29] =	stream.strided.scatter [tilespmem:s7], [sflag:$0x4], $0x400, s30, s29, $0x38;
	[tilespmem:$0x2480] =	vst v63  }
0x7a: {  	_ =	swait.ge [sflag:s31], $0x400  }
0x7b: {  	[sflag:s31] =	ssyncset.done $0x0  }
0x7c: {  	[sflag:s31] =	ssyncadd.s32 $0xFFFFFC00  }
0x7d: {  	_ =	sfence.sel $0x180000  }
0x7e: {  	[bflag:$0x0] =	sbarrier.arrive $0xFFFF  }
0x7f: {  	p0 =	sne.s32 s1, $0x0;
	_ =	strace $0x90000047  }
0x80: {  	s0 =	sadd.s32 @!p0 $0x100000, s0;
	[bflag:$0x2] =	sbarrier.arrive $0xFFFF  }
0x81: {  	[sflag:s0] =	ssyncadd.tile.s32 @!p0 $0x1;
	_ =	shalt  }
.Lfunc_end2:
_tile_overlayer_lowered:
.L_overlay_start_2:
0x82: {  	(tag) =	ssettag $0x2  }
0x83: {  	s0 =	rddreg [dreg:$0x0];
	s2 =	stileid.u32  }
0x84: {  	s1 =	rddreg [dreg:$0x1];
	p0 =	sne.s32 s2, $0x0  }
0x85: {  	s3 =	rddreg [dreg:$0x2];
	[bflag:$0x3] =	sbarrier.arrive $0xFFFF;
	s2 =	simm.s32 @!p0 $0x1C04  }
0x86: {  	[timem:s3], [sflag:s2] =	dma.local @!p0 [hbm:s0], s1  }
0x87: {  	s0 =	simm.s32 @!p0 $0x4  }
0x88: {  	_ =	swait.ge @!p0 [sflag:s0], s1  }
0x89: {  	s1 =	ssub.s32 @!p0 $0x0, s1;
	[sflag:s0] =	ssyncset.done @!p0 $0x0  }
0x8a: {  	[sflag:s0] =	ssyncadd.s32 @!p0 s1  }
0x8b: {  	[bflag:$0x3] =	sbarrier.arrive $0xFFFF  }
0x8c: {  	_ =	shalt  }

</sc_bundles>
